<compile_context>
chip_gen: v7x
topology: tpu7x:2x2x1
jax: 0.10.2.dev20260603
libtpu: 0.0.44.dev20260713+nightly
codegen_flags: <defaults>
</compile_context>

<pallas_src>
import functools
import math

import jax
import jax.numpy as jnp
from jax import lax
from jax.experimental import pallas as pl
from jax.experimental.pallas import tpu as pltpu
from jax.experimental.pallas import tpu_sc as plsc

_B = 2
_N = 2048
_DM = 1024
_H = 16
_DK = 64
_KK = 12
_NT = _B * _N

_NC = 2
_NS = 16
_NWRK = _NC * _NS
_TPW = _NT // _NWRK
_CH = 16
_NCH = _TPW // _CH


def _proj_body(q_ref, k_ref, v_ref, wq_ref, wk_ref, wv_ref,
               oq_ref, ok_ref, ov_ref):
    oq_ref[...] = jnp.dot(q_ref[...], wq_ref[...],
                          preferred_element_type=jnp.float32)
    ok_ref[...] = jnp.dot(k_ref[...], wk_ref[...],
                          preferred_element_type=jnp.float32)
    ov_ref[...] = jnp.dot(v_ref[...], wv_ref[...],
                          preferred_element_type=jnp.float32)


def _projections(q, k, v, wq_in, wk_in, wv_in):
    tm = 256
    xspec = pl.BlockSpec((tm, _DM), lambda i: (i, 0))
    wspec = pl.BlockSpec((_DM, _DM), lambda i: (0, 0))
    return pl.pallas_call(
        _proj_body,
        grid=(_NT // tm,),
        in_specs=[xspec, xspec, xspec, wspec, wspec, wspec],
        out_specs=[xspec, xspec, xspec],
        out_shape=[jax.ShapeDtypeStruct((_NT, _DM), jnp.float32)] * 3,
    )(q, k, v, wq_in, wk_in, wv_in)


def _global_body(k_ref, v_ref, qg_ref, p_ref, pt_ref, o_ref):
    qrow = qg_ref[0]
    a = k_ref[0] * qrow
    logits = jnp.dot(a, p_ref[...], preferred_element_type=jnp.float32)
    m = jnp.max(logits, axis=0, keepdims=True)
    e = jnp.exp(logits - m)
    s = jnp.sum(e, axis=0, keepdims=True)
    prob = e / s
    pe = jnp.dot(prob, pt_ref[...], preferred_element_type=jnp.float32)
    o_ref[0, 0, :] = jnp.sum(pe * v_ref[0], axis=0)


def _global_attention(kt, vt, qg, p, pt):
    return pl.pallas_call(
        _global_body,
        grid=(4,),
        in_specs=[
            pl.BlockSpec((1, _N, _DM), lambda g: (g // 2, 0, 0)),
            pl.BlockSpec((1, _N, _DM), lambda g: (g // 2, 0, 0)),
            pl.BlockSpec((1, 1, _DM), lambda g: (g, 0, 0)),
            pl.BlockSpec((_DM, _H), lambda g: (0, 0)),
            pl.BlockSpec((_H, _DM), lambda g: (0, 0)),
        ],
        out_specs=pl.BlockSpec((1, 1, _DM), lambda g: (g, 0, 0)),
        out_shape=jax.ShapeDtypeStruct((4, 1, _DM), jnp.float32),
    )(kt, vt, qg, p, pt)


_PAIR = 2
_R = 8
_PR = _PAIR * _R
_WROWS = _CH + 16
_OH = _CH // 2


def _sc_body(qt_hbm, kt_hbm, vt_hbm, idx_hbm, out_hbm,
             idxv, qv, krand, vrand, kwin, vwin, kgv, vgv, outv,
             semk, semv, semw):
    wid = lax.axis_index("s") * _NC + lax.axis_index("c")

    npairs = _TPW // _PAIR

    gbase = pl.multiple_of((wid // _NS) * _N, _N)
    pltpu.sync_copy(kt_hbm.at[pl.ds(gbase, 1)], kgv)
    pltpu.sync_copy(vt_hbm.at[pl.ds(gbase, 1)], vgv)
    pltpu.sync_copy(idx_hbm.at[pl.ds(pl.multiple_of(wid * npairs, 8),
                                     npairs)], idxv)

    pltpu.async_copy(kt_hbm.at[idxv.at[0]], krand, semk)

    def chunk_body(c, carry):
        base = pl.multiple_of(wid * _TPW + c * _CH, _CH)
        pltpu.sync_copy(qt_hbm.at[pl.ds(base, _OH)], qv)

        wload = pl.multiple_of(
            jnp.clip(base - 8, 0, _NT - _WROWS), 8)
        woff = base - wload
        cw = pltpu.async_copy(kt_hbm.at[pl.ds(wload, _WROWS)], kwin, semw)
        pltpu.async_copy(vt_hbm.at[pl.ds(wload, _WROWS)], vwin, semw)
        cw.wait()

        def pair_body(p, carry2):
            gp = c * (_CH // _PAIR) + p
            pltpu.make_async_copy(kt_hbm.at[idxv.at[gp]], krand, semk).wait()
            cv = pltpu.async_copy(vt_hbm.at[idxv.at[gp]], vrand, semv)

            t0 = p * _PAIR
            tl0 = t0 - (p // (_OH // _PAIR)) * _OH
            wi0 = [jnp.clip(t0 + w - 1 + woff, 0, _WROWS - 1)
                   for w in range(3)]
            wi1 = [jnp.clip(t0 + w + woff, 0, _WROWS - 1) for w in range(3)]

            def d_body(d2, accs):
                new = list(accs)
                for h in range(2):
                    ds = pl.ds(d2 * 32 + h * 16, 16)
                    qd0 = qv[tl0, ds]
                    qd1 = qv[tl0 + 1, ds]
                    kg = kgv[0, ds]
                    new[0] = new[0] + qd0 * kg
                    new[_KK] = new[_KK] + qd1 * kg
                    for r in range(_R):
                        new[1 + r] = new[1 + r] + qd0 * krand[r, ds]
                        new[_KK + 1 + r] = (new[_KK + 1 + r]
                                            + qd1 * krand[_R + r, ds])
                    for w in range(3):
                        new[9 + w] = new[9 + w] + qd0 * kwin[wi0[w], ds]
                        new[_KK + 9 + w] = (new[_KK + 9 + w]
                                            + qd1 * kwin[wi1[w], ds])
                return tuple(new)

            zero = jnp.zeros((16,), jnp.float32)
            accs = lax.fori_loop(0, _DK // 2, d_body, (zero,) * (2 * _KK))

            all_ws = []
            for u in range(_PAIR):
                ko = u * _KK
                m = accs[ko]
                for k in range(1, _KK):
                    m = jnp.maximum(m, accs[ko + k])
                es = tuple(jnp.exp(accs[ko + k] - m) for k in range(_KK))
                s = es[0]
                for k in range(1, _KK):
                    s = s + es[k]
                inv = 1.0 / s
                all_ws.append(tuple(e * inv for e in es))

            @pl.when(p == 0)
            def _():
                pltpu.make_async_copy(
                    vt_hbm.at[pl.ds(wload, _WROWS)], vwin, semw).wait()

            cv.wait()
            nxt = jnp.minimum(gp + 1, npairs - 1)
            pltpu.async_copy(kt_hbm.at[idxv.at[nxt]], krand, semk)

            ws0, ws1 = all_ws

            def o_body(d2, carry3):
                for h in range(2):
                    ds = pl.ds(d2 * 32 + h * 16, 16)
                    vg = vgv[0, ds]
                    acc0 = ws0[0] * vg
                    acc1 = ws1[0] * vg
                    for r in range(_R):
                        acc0 = acc0 + ws0[1 + r] * vrand[r, ds]
                        acc1 = acc1 + ws1[1 + r] * vrand[_R + r, ds]
                    for w in range(3):
                        acc0 = acc0 + ws0[9 + w] * vwin[wi0[w], ds]
                        acc1 = acc1 + ws1[9 + w] * vwin[wi1[w], ds]
                    outv[tl0, ds] = acc0
                    outv[tl0 + 1, ds] = acc1
                return carry3

            lax.fori_loop(0, _DK // 2, o_body, 0)

            @pl.when(p == (_OH // _PAIR) - 1)
            def _():
                pltpu.sync_copy(outv, out_hbm.at[pl.ds(base, _OH)])
                pltpu.sync_copy(
                    qt_hbm.at[pl.ds(pl.multiple_of(base + _OH, 8), _OH)], qv)

            @pl.when(p == (_CH // _PAIR) - 1)
            def _():
                pltpu.sync_copy(
                    outv, out_hbm.at[pl.ds(
                        pl.multiple_of(base + _OH, 8), _OH)])

            return carry2

        lax.fori_loop(0, _CH // _PAIR, pair_body, 0)
        return carry

    lax.fori_loop(0, _NCH, chunk_body, 0)
    pltpu.make_async_copy(kt_hbm.at[idxv.at[npairs - 1]], krand, semk).wait()


def _sc_attention(qt, kt, vt, idx_rand):
    mesh = plsc.VectorSubcoreMesh(core_axis_name="c", subcore_axis_name="s")
    fn = functools.partial(
        pl.kernel,
        mesh=mesh,
        out_type=jax.ShapeDtypeStruct((_NT, _DM), jnp.float32),
        scratch_types=[
            pltpu.VMEM((_TPW // _PAIR, _PR), jnp.int32),
            pltpu.VMEM((_OH, _DM), jnp.float32),
            pltpu.VMEM((_PR, _DM), jnp.float32),
            pltpu.VMEM((_PR, _DM), jnp.float32),
            pltpu.VMEM((_WROWS, _DM), jnp.float32),
            pltpu.VMEM((_WROWS, _DM), jnp.float32),
            pltpu.VMEM((1, _DM), jnp.float32),
            pltpu.VMEM((1, _DM), jnp.float32),
            pltpu.VMEM((_OH, _DM), jnp.float32),
            pltpu.SemaphoreType.DMA,
            pltpu.SemaphoreType.DMA,
            pltpu.SemaphoreType.DMA,
        ],
    )(_sc_body)
    return fn(qt, kt, vt, idx_rand.reshape(_NT // _PAIR, _PR))


def _out_body(x_ref, g_ref, tgt_ref, w_ref, o_ref):
    x = x_ref[...]
    tgt = tgt_ref[pl.program_id(0)]
    rows = lax.broadcasted_iota(jnp.int32, x.shape, 0)
    x = jnp.where(rows == tgt, g_ref[0], x)
    o_ref[...] = jnp.dot(x, w_ref[...], preferred_element_type=jnp.float32)


def _out_matmul(x, g16, tgt, w):
    tm = 256
    return pl.pallas_call(
        _out_body,
        grid=(_NT // tm,),
        in_specs=[
            pl.BlockSpec((tm, _DM), lambda i: (i, 0)),
            pl.BlockSpec((1, 1, _DM), lambda i: (i, 0, 0)),
            pl.BlockSpec(memory_space=pltpu.SMEM),
            pl.BlockSpec((_DM, _DM), lambda i: (0, 0)),
        ],
        out_specs=pl.BlockSpec((tm, _DM), lambda i: (i, 0)),
        out_shape=jax.ShapeDtypeStruct((_NT, _DM), jnp.float32),
    )(x, g16, tgt, w)


def kernel(Q, K, V, Wq, Wk, Wv, Wo, idx):
    scale = 1.0 / math.sqrt(_DK)
    ct = jnp.arange(_DM)
    cols = (ct % _H) * _DK + ct // _H

    wq_in = jnp.transpose(Wq[cols, :] * scale)
    wk_in = jnp.transpose(Wk[cols, :])
    wv_in = jnp.transpose(Wv[cols, :])
    wo_in = jnp.transpose(Wo[:, cols])

    qt, kt, vt = _projections(Q.reshape(_NT, _DM), K.reshape(_NT, _DM),
                              V.reshape(_NT, _DM), wq_in, wk_in, wv_in)

    p = jax.nn.one_hot(ct % _H, _H, dtype=jnp.float32)
    pt = jnp.transpose(p)

    kt3 = kt.reshape(_B, _N, _DM)
    vt3 = vt.reshape(_B, _N, _DM)
    qt3 = qt.reshape(_B, _N, _DM)
    qg = jnp.concatenate([qt3[:, :1, :], qt3[:, _N - 1:, :]],
                         axis=1).reshape(4, 1, _DM)
    out_g = _global_attention(kt3, vt3, qg, p, pt).reshape(_B, 2, _DM)

    idx32 = idx[:, 1:1 + _R].astype(jnp.int32)
    blocks = []
    for b in range(_B):
        pad = jnp.full((1, _R), b * _N, jnp.int32)
        blocks.append(jnp.concatenate([pad, idx32 + b * _N, pad], axis=0))
    idx_rand = jnp.concatenate(blocks, axis=0)

    sc_out = _sc_attention(qt, kt, vt, idx_rand)

    g16 = jnp.zeros((16, 1, _DM), jnp.float32)
    g16 = g16.at[0, 0].set(out_g[0, 0]).at[7, 0].set(out_g[0, 1])
    g16 = g16.at[8, 0].set(out_g[1, 0]).at[15, 0].set(out_g[1, 1])
    tgt = jnp.array([0] + [-1] * 6 + [255, 0] + [-1] * 6 + [255], jnp.int32)

    x = _out_matmul(sc_out, g16, tgt, wo_in)
    return x.reshape(_B, _N, _DM)

# --- scband reference (transcript-rebuilt; emitter-appended) ---
"""Pipeline reference for scband-sparse-multi-head-attention-75943611728645 (READ-ONLY COPY).

The authoritative reference and input builder live on the scoring server;
editing this copy changes nothing except your own understanding.
"""

import jax, jax.numpy as jnp
import numpy as np
import math

B = 2
N = 2048
D = 1024
H = 16
DK = 64
DV = 64
G = 1
W = 3
R = 8
KK = 1 + R + W


def _build_idx():
    # replicates SparseMultiHeadAttention.create_idx_tensor with a fixed numpy seed
    special = G - (W - 1) // 2
    num_sub = N - W + 2
    base = np.arange(num_sub)[:, None] + np.arange(W)[None, :] + max(special, 0)
    rng = np.random.default_rng(0)
    rows = []
    for j, i in enumerate(range(G, N - G)):
        rand = []
        for _ in range(R):
            s = int(rng.integers(1, N))
            while i - (W - 1) // 2 <= s <= i + (W - 1) // 2:
                s = int(rng.integers(1, N))
            rand.append(s)
        rows.append([0] + rand + base[j].tolist())
    return np.asarray(rows, dtype=np.int64)  # [N-2G, KK]


def setup_inputs(seed: int = 0) -> dict:
    key = jax.random.key(seed)
    ks = jax.random.split(key, 7)
    Q = jax.random.normal(ks[0], (B, N, D), dtype=jnp.float32)
    K = jax.random.normal(ks[1], (B, N, D), dtype=jnp.float32)
    V = jax.random.normal(ks[2], (B, N, D), dtype=jnp.float32)
    Wq = jax.random.normal(ks[3], (H * DK, D), dtype=jnp.float32) * 0.02
    Wk = jax.random.normal(ks[4], (H * DK, D), dtype=jnp.float32) * 0.02
    Wv = jax.random.normal(ks[5], (H * DV, D), dtype=jnp.float32) * 0.02
    Wo = jax.random.normal(ks[6], (D, H * DV), dtype=jnp.float32) * 0.02
    idx = jnp.asarray(_build_idx())
    return {"Q": Q, "K": K, "V": V, "Wq": Wq, "Wk": Wk, "Wv": Wv, "Wo": Wo, "idx": idx}


def reference(Q, K, V, Wq, Wk, Wv, Wo, idx):
    q = (Q @ Wq.T).reshape(B, N, H, DK).transpose(0, 2, 1, 3)
    k_ = (K @ Wk.T).reshape(B, N, H, DK).transpose(0, 2, 1, 3)
    v = (V @ Wv.T).reshape(B, N, H, DV).transpose(0, 2, 1, 3)
    scale = 1.0 / math.sqrt(DK)
    # global tokens: full attention
    global_idx = jnp.concatenate([jnp.arange(G), jnp.arange(N - G, N)])
    Qg = q[:, :, global_idx, :]                                  # [B,H,2G,DK]
    logits_g = jnp.matmul(Qg, jnp.swapaxes(k_, -1, -2)) * scale   # [B,H,2G,N]
    prob_g = jax.nn.softmax(logits_g, axis=-1)
    out_g = jnp.matmul(prob_g, v)                                 # [B,H,2G,DV]
    # non-global tokens: sparse gathered attention
    Qng = q[:, :, G:N - G, :]                                     # [B,H,n_ng,DK]
    K_sel = jnp.take(k_, idx, axis=2)                             # [B,H,n_ng,KK,DK]
    V_sel = jnp.take(v, idx, axis=2)                              # [B,H,n_ng,KK,DV]
    logits_ng = jnp.einsum('bhnd,bhnkd->bhnk', Qng, K_sel) * scale
    prob_ng = jax.nn.softmax(logits_ng, axis=-1)
    out_ng = jnp.sum(prob_ng[..., None] * V_sel, axis=-2)         # [B,H,n_ng,DV]
    out = jnp.concatenate([out_g[:, :, :G, :], out_ng, out_g[:, :, G:, :]], axis=2)
    x = out.transpose(0, 2, 1, 3).reshape(B, N, H * DV)
    x = x @ Wo.T
    return x

if __name__ == "__main__":
    import jax
    _d = setup_inputs()
    print(jax.jit(kernel)(*tuple(_d.values())))

</pallas_src>

<mosaic_0001>
#map = affine_map<(d0, d1) -> (0, 0)>
module attributes {stable_mosaic.version = 14 : i64} {
  func.func @_sc_body(%arg0: i32, %arg1: i32, %arg2: memref<4096x1024xf32, #tpu.memory_space<hbm>>, %arg3: memref<4096x1024xf32, #tpu.memory_space<hbm>>, %arg4: memref<4096x1024xf32, #tpu.memory_space<hbm>>, %arg5: memref<2048x16xi32, #tpu.memory_space<hbm>>, %arg6: memref<4096x1024xf32, #tpu.memory_space<hbm>>, %arg7: memref<64x16xi32, #tpu.memory_space<vmem>>, %arg8: memref<8x1024xf32, #tpu.memory_space<vmem>>, %arg9: memref<16x1024xf32, #tpu.memory_space<vmem>>, %arg10: memref<16x1024xf32, #tpu.memory_space<vmem>>, %arg11: memref<32x1024xf32, #tpu.memory_space<vmem>>, %arg12: memref<32x1024xf32, #tpu.memory_space<vmem>>, %arg13: memref<1x1024xf32, #tpu.memory_space<vmem>>, %arg14: memref<1x1024xf32, #tpu.memory_space<vmem>>, %arg15: memref<8x1024xf32, #tpu.memory_space<vmem>>, %arg16: memref<!tpu.dma_semaphore, #tpu.memory_space<semaphore_mem>>, %arg17: memref<!tpu.dma_semaphore, #tpu.memory_space<semaphore_mem>>, %arg18: memref<!tpu.dma_semaphore, #tpu.memory_space<semaphore_mem>>) attributes {dimension_semantics = [#tpu.dimension_semantics<core_parallel>, #tpu.dimension_semantics<subcore_parallel>], iteration_bounds = array<i64: 2, 16>, scalar_prefetch = 0 : i64, scratch_operands = 12 : i64, tpu.core_type = #tpu.core_type<sc_vector_subcore>, window_params = [{transform_indices = #map}, {transform_indices = #map}, {transform_indices = #map}, {transform_indices = #map}, {transform_indices = #map}]} {
    %mul3A = arith.constant 2 : i32
    %mul3A_0 = arith.muli %arg1, %mul3A : i32
    %add3A = arith.addi %mul3A_0, %arg0 : i32
    %jit3A = arith.constant 16 : i32
    %div3A = arith.divsi %add3A, %jit3A : i32
    %sign3A = arith.constant 0 : i32
    %sign3A_1 = arith.cmpi sgt, %add3A, %sign3A : i32
    %sign3A_2 = arith.extui %sign3A_1 : i1 to i32
    %sign3A_3 = arith.constant 0 : i32
    %sign3A_4 = arith.cmpi slt, %add3A, %sign3A_3 : i32
    %sign3A_5 = arith.extui %sign3A_4 : i1 to i32
    %sign3A_6 = arith.subi %sign3A_2, %sign3A_5 : i32
    %sign3A_7 = arith.constant 0 : i32
    %sign3A_8 = arith.cmpi sgt, %jit3A, %sign3A_7 : i32
    %sign3A_9 = arith.extui %sign3A_8 : i1 to i32
    %sign3A_10 = arith.constant 0 : i32
    %sign3A_11 = arith.cmpi slt, %jit3A, %sign3A_10 : i32
    %sign3A_12 = arith.extui %sign3A_11 : i1 to i32
    %sign3A_13 = arith.subi %sign3A_9, %sign3A_12 : i32
    %ne3A = arith.cmpi ne, %sign3A_6, %sign3A_13 : i32
    %rem3A = arith.remsi %add3A, %jit3A : i32
    %ne3A_14 = arith.constant 0 : i32
    %ne3A_15 = arith.cmpi ne, %rem3A, %ne3A_14 : i32
    %and3A = arith.andi %ne3A, %ne3A_15 : i1
    %sub3A = arith.constant 1 : i32
    %sub3A_16 = arith.subi %div3A, %sub3A : i32
    %select_n3A = arith.select %and3A, %sub3A_16, %div3A : i32
    %mul3A_17 = arith.constant 2048 : i32
    %mul3A_18 = arith.muli %select_n3A, %mul3A_17 : i32
    %multiple_of3A = tpu.assume_multiple %mul3A_18, 2048 : i32
    "tpu.region"() ({
      %run_scoped3A = tpu.sem_alloc : memref<!tpu.dma_semaphore, #tpu.memory_space<semaphore_mem>>
      %dma_start3A_39 = arith.constant 0 : i32
      %dma_start3A_40 = tpu.memref_slice %arg3[%multiple_of3A, %dma_start3A_39] : memref<4096x1024xf32, #tpu.memory_space<hbm>> -> memref<1x1024xf32, #tpu.memory_space<hbm>>
      %dma_start3A_41 = arith.constant 0 : i32
      %dma_start3A_42 = tpu.memref_slice %arg3[%multiple_of3A, %dma_start3A_41] : memref<4096x1024xf32, #tpu.memory_space<hbm>> -> memref<1x1024xf32, #tpu.memory_space<hbm>>
      tpu.enqueue_dma source(%dma_start3A_42 : memref<1x1024xf32, #tpu.memory_space<hbm>>) target(%arg13 : memref<1x1024xf32, #tpu.memory_space<vmem>>) target_semaphore(%run_scoped3A : memref<!tpu.dma_semaphore, #tpu.memory_space<semaphore_mem>>)
      %dma_wait3A_43 = arith.constant 0 : i32
      %dma_wait3A_44 = tpu.memref_slice %arg3[%multiple_of3A, %dma_wait3A_43] : memref<4096x1024xf32, #tpu.memory_space<hbm>> -> memref<1x1024xf32, #tpu.memory_space<hbm>>
      %dma_wait3A_45 = arith.constant 0 : i32
      %dma_wait3A_46 = tpu.memref_slice %arg3[%multiple_of3A, %dma_wait3A_45] : memref<4096x1024xf32, #tpu.memory_space<hbm>> -> memref<1x1024xf32, #tpu.memory_space<hbm>>
      tpu.wait_dma2 semaphore(%run_scoped3A : memref<!tpu.dma_semaphore, #tpu.memory_space<semaphore_mem>>) src(%dma_wait3A_46 : memref<1x1024xf32, #tpu.memory_space<hbm>>) dst(%arg13 : memref<1x1024xf32, #tpu.memory_space<vmem>>)
      tpu.yield
    }) : () -> ()
    "tpu.region"() ({
      %run_scoped3A = tpu.sem_alloc : memref<!tpu.dma_semaphore, #tpu.memory_space<semaphore_mem>>
      %dma_start3A_39 = arith.constant 0 : i32
      %dma_start3A_40 = tpu.memref_slice %arg4[%multiple_of3A, %dma_start3A_39] : memref<4096x1024xf32, #tpu.memory_space<hbm>> -> memref<1x1024xf32, #tpu.memory_space<hbm>>
      %dma_start3A_41 = arith.constant 0 : i32
      %dma_start3A_42 = tpu.memref_slice %arg4[%multiple_of3A, %dma_start3A_41] : memref<4096x1024xf32, #tpu.memory_space<hbm>> -> memref<1x1024xf32, #tpu.memory_space<hbm>>
      tpu.enqueue_dma source(%dma_start3A_42 : memref<1x1024xf32, #tpu.memory_space<hbm>>) target(%arg14 : memref<1x1024xf32, #tpu.memory_space<vmem>>) target_semaphore(%run_scoped3A : memref<!tpu.dma_semaphore, #tpu.memory_space<semaphore_mem>>)
      %dma_wait3A_43 = arith.constant 0 : i32
      %dma_wait3A_44 = tpu.memref_slice %arg4[%multiple_of3A, %dma_wait3A_43] : memref<4096x1024xf32, #tpu.memory_space<hbm>> -> memref<1x1024xf32, #tpu.memory_space<hbm>>
      %dma_wait3A_45 = arith.constant 0 : i32
      %dma_wait3A_46 = tpu.memref_slice %arg4[%multiple_of3A, %dma_wait3A_45] : memref<4096x1024xf32, #tpu.memory_space<hbm>> -> memref<1x1024xf32, #tpu.memory_space<hbm>>
      tpu.wait_dma2 semaphore(%run_scoped3A : memref<!tpu.dma_semaphore, #tpu.memory_space<semaphore_mem>>) src(%dma_wait3A_46 : memref<1x1024xf32, #tpu.memory_space<hbm>>) dst(%arg14 : memref<1x1024xf32, #tpu.memory_space<vmem>>)
      tpu.yield
    }) : () -> ()
    %mul3A_19 = arith.constant 64 : i32
    %mul3A_20 = arith.muli %add3A, %mul3A_19 : i32
    %multiple_of3A_21 = tpu.assume_multiple %mul3A_20, 8 : i32
    "tpu.region"() ({
      %run_scoped3A = tpu.sem_alloc : memref<!tpu.dma_semaphore, #tpu.memory_space<semaphore_mem>>
      %dma_start3A_39 = arith.constant 0 : i32
      %dma_start3A_40 = tpu.memref_slice %arg5[%multiple_of3A_21, %dma_start3A_39] : memref<2048x16xi32, #tpu.memory_space<hbm>> -> memref<64x16xi32, #tpu.memory_space<hbm>>
      %dma_start3A_41 = arith.constant 0 : i32
      %dma_start3A_42 = tpu.memref_slice %arg5[%multiple_of3A_21, %dma_start3A_41] : memref<2048x16xi32, #tpu.memory_space<hbm>> -> memref<64x16xi32, #tpu.memory_space<hbm>>
      tpu.enqueue_dma source(%dma_start3A_42 : memref<64x16xi32, #tpu.memory_space<hbm>>) target(%arg7 : memref<64x16xi32, #tpu.memory_space<vmem>>) target_semaphore(%run_scoped3A : memref<!tpu.dma_semaphore, #tpu.memory_space<semaphore_mem>>)
      %dma_wait3A_43 = arith.constant 0 : i32
      %dma_wait3A_44 = tpu.memref_slice %arg5[%multiple_of3A_21, %dma_wait3A_43] : memref<2048x16xi32, #tpu.memory_space<hbm>> -> memref<64x16xi32, #tpu.memory_space<hbm>>
      %dma_wait3A_45 = arith.constant 0 : i32
      %dma_wait3A_46 = tpu.memref_slice %arg5[%multiple_of3A_21, %dma_wait3A_45] : memref<2048x16xi32, #tpu.memory_space<hbm>> -> memref<64x16xi32, #tpu.memory_space<hbm>>
      tpu.wait_dma2 semaphore(%run_scoped3A : memref<!tpu.dma_semaphore, #tpu.memory_space<semaphore_mem>>) src(%dma_wait3A_46 : memref<64x16xi32, #tpu.memory_space<hbm>>) dst(%arg7 : memref<64x16xi32, #tpu.memory_space<vmem>>)
      tpu.yield
    }) : () -> ()
    %dma_start3A = arith.constant 0 : i32
    %dma_start3A_22 = arith.constant 0 : i32
    %dma_start3A_23 = tpu.memref_slice %arg7[%dma_start3A, %dma_start3A_22] : memref<64x16xi32, #tpu.memory_space<vmem>> -> memref<1x16xi32, #tpu.memory_space<vmem>>
    %dma_start3A_24 = tpu.memref_squeeze %dma_start3A_23 : memref<1x16xi32, #tpu.memory_space<vmem>> -> memref<16xi32, #tpu.memory_space<vmem>>
    %dma_start3A_25 = arith.constant 0 : i32
    %dma_start3A_26 = arith.constant 0 : i32
    %dma_start3A_27 = tpu.memref_slice %arg3[%dma_start3A_25, %dma_start3A_26] : memref<4096x1024xf32, #tpu.memory_space<hbm>> -> memref<4096x1024xf32, #tpu.memory_space<hbm>>
    tpu.enqueue_indirect_dma source(%dma_start3A_27 : memref<4096x1024xf32, #tpu.memory_space<hbm>>) target(%arg9 : memref<16x1024xf32, #tpu.memory_space<vmem>>) offsets(%dma_start3A_24 : memref<16xi32, #tpu.memory_space<vmem>>) semaphore(%arg16 : memref<!tpu.dma_semaphore, #tpu.memory_space<semaphore_mem>>)
    %scan3A = arith.constant 0 : i32
    %scan3A_28 = arith.constant 0 : i32
    %scan3A_29 = arith.constant 8 : i32
    %scan3A_30 = arith.addi %scan3A_28, %scan3A_29 : i32
    %scan3A_31 = arith.constant 1 : i32
    scf.for %scan3A_39 = %scan3A_28 to %scan3A_30 step %scan3A_31  : i32 {
      %mul3A_40 = arith.constant 128 : i32
      %mul3A_41 = arith.muli %add3A, %mul3A_40 : i32
      %mul3A_42 = arith.constant 16 : i32
      %mul3A_43 = arith.muli %scan3A_39, %mul3A_42 : i32
      %add3A_44 = arith.addi %mul3A_41, %mul3A_43 : i32
      %multiple_of3A_45 = tpu.assume_multiple %add3A_44, 16 : i32
      "tpu.region"() ({
        %run_scoped3A = tpu.sem_alloc : memref<!tpu.dma_semaphore, #tpu.memory_space<semaphore_mem>>
        %dma_start3A_70 = arith.constant 0 : i32
        %dma_start3A_71 = tpu.memref_slice %arg2[%multiple_of3A_45, %dma_start3A_70] : memref<4096x1024xf32, #tpu.memory_space<hbm>> -> memref<8x1024xf32, #tpu.memory_space<hbm>>
        %dma_start3A_72 = arith.constant 0 : i32
        %dma_start3A_73 = tpu.memref_slice %arg2[%multiple_of3A_45, %dma_start3A_72] : memref<4096x1024xf32, #tpu.memory_space<hbm>> -> memref<8x1024xf32, #tpu.memory_space<hbm>>
        tpu.enqueue_dma source(%dma_start3A_73 : memref<8x1024xf32, #tpu.memory_space<hbm>>) target(%arg8 : memref<8x1024xf32, #tpu.memory_space<vmem>>) target_semaphore(%run_scoped3A : memref<!tpu.dma_semaphore, #tpu.memory_space<semaphore_mem>>)
        %dma_wait3A_74 = arith.constant 0 : i32
        %dma_wait3A_75 = tpu.memref_slice %arg2[%multiple_of3A_45, %dma_wait3A_74] : memref<4096x1024xf32, #tpu.memory_space<hbm>> -> memref<8x1024xf32, #tpu.memory_space<hbm>>
        %dma_wait3A_76 = arith.constant 0 : i32
        %dma_wait3A_77 = tpu.memref_slice %arg2[%multiple_of3A_45, %dma_wait3A_76] : memref<4096x1024xf32, #tpu.memory_space<hbm>> -> memref<8x1024xf32, #tpu.memory_space<hbm>>
        tpu.wait_dma2 semaphore(%run_scoped3A : memref<!tpu.dma_semaphore, #tpu.memory_space<semaphore_mem>>) src(%dma_wait3A_77 : memref<8x1024xf32, #tpu.memory_space<hbm>>) dst(%arg8 : memref<8x1024xf32, #tpu.memory_space<vmem>>)
        tpu.yield
      }) : () -> ()
      %sub3A_46 = arith.constant 8 : i32
      %sub3A_47 = arith.subi %multiple_of3A_45, %sub3A_46 : i32
      %jit3A_48 = arith.constant 0 : i32
      %jit3A_49 = arith.constant 4064 : i32
      %max3A = arith.maxsi %jit3A_48, %sub3A_47 : i32
      %min3A = arith.minsi %jit3A_49, %max3A : i32
      %multiple_of3A_50 = tpu.assume_multiple %min3A, 8 : i32
      %sub3A_51 = arith.subi %multiple_of3A_45, %multiple_of3A_50 : i32
      %dma_start3A_52 = arith.constant 0 : i32
      %dma_start3A_53 = tpu.memref_slice %arg3[%multiple_of3A_50, %dma_start3A_52] : memref<4096x1024xf32, #tpu.memory_space<hbm>> -> memref<32x1024xf32, #tpu.memory_space<hbm>>
      %dma_start3A_54 = arith.constant 0 : i32
      %dma_start3A_55 = tpu.memref_slice %arg3[%multiple_of3A_50, %dma_start3A_54] : memref<4096x1024xf32, #tpu.memory_space<hbm>> -> memref<32x1024xf32, #tpu.memory_space<hbm>>
      tpu.enqueue_dma source(%dma_start3A_55 : memref<32x1024xf32, #tpu.memory_space<hbm>>) target(%arg11 : memref<32x1024xf32, #tpu.memory_space<vmem>>) target_semaphore(%arg18 : memref<!tpu.dma_semaphore, #tpu.memory_space<semaphore_mem>>)
      %dma_start3A_56 = arith.constant 0 : i32
      %dma_start3A_57 = tpu.memref_slice %arg4[%multiple_of3A_50, %dma_start3A_56] : memref<4096x1024xf32, #tpu.memory_space<hbm>> -> memref<32x1024xf32, #tpu.memory_space<hbm>>
      %dma_start3A_58 = arith.constant 0 : i32
      %dma_start3A_59 = tpu.memref_slice %arg4[%multiple_of3A_50, %dma_start3A_58] : memref<4096x1024xf32, #tpu.memory_space<hbm>> -> memref<32x1024xf32, #tpu.memory_space<hbm>>
      tpu.enqueue_dma source(%dma_start3A_59 : memref<32x1024xf32, #tpu.memory_space<hbm>>) target(%arg12 : memref<32x1024xf32, #tpu.memory_space<vmem>>) target_semaphore(%arg18 : memref<!tpu.dma_semaphore, #tpu.memory_space<semaphore_mem>>)
      %dma_wait3A_60 = arith.constant 0 : i32
      %dma_wait3A_61 = tpu.memref_slice %arg3[%multiple_of3A_50, %dma_wait3A_60] : memref<4096x1024xf32, #tpu.memory_space<hbm>> -> memref<32x1024xf32, #tpu.memory_space<hbm>>
      %dma_wait3A_62 = arith.constant 0 : i32
      %dma_wait3A_63 = tpu.memref_slice %arg3[%multiple_of3A_50, %dma_wait3A_62] : memref<4096x1024xf32, #tpu.memory_space<hbm>> -> memref<32x1024xf32, #tpu.memory_space<hbm>>
      tpu.wait_dma2 semaphore(%arg18 : memref<!tpu.dma_semaphore, #tpu.memory_space<semaphore_mem>>) src(%dma_wait3A_63 : memref<32x1024xf32, #tpu.memory_space<hbm>>) dst(%arg11 : memref<32x1024xf32, #tpu.memory_space<vmem>>)
      %scan3A_64 = arith.constant 0 : i32
      %scan3A_65 = arith.constant 0 : i32
      %scan3A_66 = arith.constant 8 : i32
      %scan3A_67 = arith.addi %scan3A_65, %scan3A_66 : i32
      %scan3A_68 = arith.constant 1 : i32
      scf.for %scan3A_70 = %scan3A_65 to %scan3A_67 step %scan3A_68  : i32 {
        %mul3A_71 = arith.constant 8 : i32
        %mul3A_72 = arith.muli %scan3A_39, %mul3A_71 : i32
        %add3A_73 = arith.addi %mul3A_72, %scan3A_70 : i32
        %dma_wait3A_74 = arith.constant 0 : i32
        %dma_wait3A_75 = tpu.memref_slice %arg7[%add3A_73, %dma_wait3A_74] : memref<64x16xi32, #tpu.memory_space<vmem>> -> memref<1x16xi32, #tpu.memory_space<vmem>>
        %dma_wait3A_76 = tpu.memref_squeeze %dma_wait3A_75 : memref<1x16xi32, #tpu.memory_space<vmem>> -> memref<16xi32, #tpu.memory_space<vmem>>
        %dma_wait3A_77 = arith.constant 0 : i32
        %dma_wait3A_78 = arith.constant 0 : i32
        %dma_wait3A_79 = tpu.memref_slice %arg3[%dma_wait3A_77, %dma_wait3A_78] : memref<4096x1024xf32, #tpu.memory_space<hbm>> -> memref<4096x1024xf32, #tpu.memory_space<hbm>>
        tpu.wait_indirect_dma semaphore(%arg16 : memref<!tpu.dma_semaphore, #tpu.memory_space<semaphore_mem>>) src(%dma_wait3A_79 : memref<4096x1024xf32, #tpu.memory_space<hbm>>) dst(%arg9 : memref<16x1024xf32, #tpu.memory_space<vmem>>)
        %dma_start3A_80 = arith.constant 0 : i32
        %dma_start3A_81 = tpu.memref_slice %arg7[%add3A_73, %dma_start3A_80] : memref<64x16xi32, #tpu.memory_space<vmem>> -> memref<1x16xi32, #tpu.memory_space<vmem>>
        %dma_start3A_82 = tpu.memref_squeeze %dma_start3A_81 : memref<1x16xi32, #tpu.memory_space<vmem>> -> memref<16xi32, #tpu.memory_space<vmem>>
        %dma_start3A_83 = arith.constant 0 : i32
        %dma_start3A_84 = arith.constant 0 : i32
        %dma_start3A_85 = tpu.memref_slice %arg4[%dma_start3A_83, %dma_start3A_84] : memref<4096x1024xf32, #tpu.memory_space<hbm>> -> memref<4096x1024xf32, #tpu.memory_space<hbm>>
        tpu.enqueue_indirect_dma source(%dma_start3A_85 : memref<4096x1024xf32, #tpu.memory_space<hbm>>) target(%arg10 : memref<16x1024xf32, #tpu.memory_space<vmem>>) offsets(%dma_start3A_82 : memref<16xi32, #tpu.memory_space<vmem>>) semaphore(%arg17 : memref<!tpu.dma_semaphore, #tpu.memory_space<semaphore_mem>>)
        %mul3A_86 = arith.constant 2 : i32
        %mul3A_87 = arith.muli %scan3A_70, %mul3A_86 : i32
        %jit3A_88 = arith.constant 4 : i32
        %div3A_89 = arith.divsi %scan3A_70, %jit3A_88 : i32
        %sign3A_90 = arith.constant 0 : i32
        %sign3A_91 = arith.cmpi sgt, %scan3A_70, %sign3A_90 : i32
        %sign3A_92 = arith.extui %sign3A_91 : i1 to i32
        %sign3A_93 = arith.constant 0 : i32
        %sign3A_94 = arith.cmpi slt, %scan3A_70, %sign3A_93 : i32
        %sign3A_95 = arith.extui %sign3A_94 : i1 to i32
        %sign3A_96 = arith.subi %sign3A_92, %sign3A_95 : i32
        %sign3A_97 = arith.constant 0 : i32
        %sign3A_98 = arith.cmpi sgt, %jit3A_88, %sign3A_97 : i32
        %sign3A_99 = arith.extui %sign3A_98 : i1 to i32
        %sign3A_100 = arith.constant 0 : i32
        %sign3A_101 = arith.cmpi slt, %jit3A_88, %sign3A_100 : i32
        %sign3A_102 = arith.extui %sign3A_101 : i1 to i32
        %sign3A_103 = arith.subi %sign3A_99, %sign3A_102 : i32
        %ne3A_104 = arith.cmpi ne, %sign3A_96, %sign3A_103 : i32
        %rem3A_105 = arith.remsi %scan3A_70, %jit3A_88 : i32
        %ne3A_106 = arith.constant 0 : i32
        %ne3A_107 = arith.cmpi ne, %rem3A_105, %ne3A_106 : i32
        %and3A_108 = arith.andi %ne3A_104, %ne3A_107 : i1
        %sub3A_109 = arith.constant 1 : i32
        %sub3A_110 = arith.subi %div3A_89, %sub3A_109 : i32
        %select_n3A_111 = arith.select %and3A_108, %sub3A_110, %div3A_89 : i32
        %mul3A_112 = arith.constant 8 : i32
        %mul3A_113 = arith.muli %select_n3A_111, %mul3A_112 : i32
        %sub3A_114 = arith.subi %mul3A_87, %mul3A_113 : i32
        %add3A_115 = arith.constant 0 : i32
        %add3A_116 = arith.addi %mul3A_87, %add3A_115 : i32
        %sub3A_117 = arith.constant 1 : i32
        %sub3A_118 = arith.subi %add3A_116, %sub3A_117 : i32
        %add3A_119 = arith.addi %sub3A_118, %sub3A_51 : i32
        %jit3A_120 = arith.constant 0 : i32
        %jit3A_121 = arith.constant 31 : i32
        %max3A_122 = arith.maxsi %jit3A_120, %add3A_119 : i32
        %min3A_123 = arith.minsi %jit3A_121, %max3A_122 : i32
        %add3A_124 = arith.constant 1 : i32
        %add3A_125 = arith.addi %mul3A_87, %add3A_124 : i32
        %sub3A_126 = arith.constant 1 : i32
        %sub3A_127 = arith.subi %add3A_125, %sub3A_126 : i32
        %add3A_128 = arith.addi %sub3A_127, %sub3A_51 : i32
        %jit3A_129 = arith.constant 0 : i32
        %jit3A_130 = arith.constant 31 : i32
        %max3A_131 = arith.maxsi %jit3A_129, %add3A_128 : i32
        %min3A_132 = arith.minsi %jit3A_130, %max3A_131 : i32
        %add3A_133 = arith.constant 2 : i32
        %add3A_134 = arith.addi %mul3A_87, %add3A_133 : i32
        %sub3A_135 = arith.constant 1 : i32
        %sub3A_136 = arith.subi %add3A_134, %sub3A_135 : i32
        %add3A_137 = arith.addi %sub3A_136, %sub3A_51 : i32
        %jit3A_138 = arith.constant 0 : i32
        %jit3A_139 = arith.constant 31 : i32
        %max3A_140 = arith.maxsi %jit3A_138, %add3A_137 : i32
        %min3A_141 = arith.minsi %jit3A_139, %max3A_140 : i32
        %add3A_142 = arith.constant 0 : i32
        %add3A_143 = arith.addi %mul3A_87, %add3A_142 : i32
        %add3A_144 = arith.addi %add3A_143, %sub3A_51 : i32
        %jit3A_145 = arith.constant 0 : i32
        %jit3A_146 = arith.constant 31 : i32
        %max3A_147 = arith.maxsi %jit3A_145, %add3A_144 : i32
        %min3A_148 = arith.minsi %jit3A_146, %max3A_147 : i32
        %add3A_149 = arith.constant 1 : i32
        %add3A_150 = arith.addi %mul3A_87, %add3A_149 : i32
        %add3A_151 = arith.addi %add3A_150, %sub3A_51 : i32
        %jit3A_152 = arith.constant 0 : i32
        %jit3A_153 = arith.constant 31 : i32
        %max3A_154 = arith.maxsi %jit3A_152, %add3A_151 : i32
        %min3A_155 = arith.minsi %jit3A_153, %max3A_154 : i32
        %add3A_156 = arith.constant 2 : i32
        %add3A_157 = arith.addi %mul3A_87, %add3A_156 : i32
        %add3A_158 = arith.addi %add3A_157, %sub3A_51 : i32
        %jit3A_159 = arith.constant 0 : i32
        %jit3A_160 = arith.constant 31 : i32
        %max3A_161 = arith.maxsi %jit3A_159, %add3A_158 : i32
        %min3A_162 = arith.minsi %jit3A_160, %max3A_161 : i32
        %broadcast_in_dim3A = arith.constant 0.000000e+00 : f32
        %broadcast_in_dim3A_163 = vector.broadcast %broadcast_in_dim3A : f32 to vector<16xf32>
        %scan3A_164 = arith.constant 0 : i32
        %scan3A_165 = arith.constant 32 : i32
        %scan3A_166 = arith.addi %scan3A_164, %scan3A_165 : i32
        %scan3A_167 = arith.constant 1 : i32
        %scan3A_168:24 = scf.for %scan3A_325 = %scan3A_164 to %scan3A_166 step %scan3A_167 iter_args(%scan3A_326 = %broadcast_in_dim3A_163, %scan3A_327 = %broadcast_in_dim3A_163, %scan3A_328 = %broadcast_in_dim3A_163, %scan3A_329 = %broadcast_in_dim3A_163, %scan3A_330 = %broadcast_in_dim3A_163, %scan3A_331 = %broadcast_in_dim3A_163, %scan3A_332 = %broadcast_in_dim3A_163, %scan3A_333 = %broadcast_in_dim3A_163, %scan3A_334 = %broadcast_in_dim3A_163, %scan3A_335 = %broadcast_in_dim3A_163, %scan3A_336 = %broadcast_in_dim3A_163, %scan3A_337 = %broadcast_in_dim3A_163, %scan3A_338 = %broadcast_in_dim3A_163, %scan3A_339 = %broadcast_in_dim3A_163, %scan3A_340 = %broadcast_in_dim3A_163, %scan3A_341 = %broadcast_in_dim3A_163, %scan3A_342 = %broadcast_in_dim3A_163, %scan3A_343 = %broadcast_in_dim3A_163, %scan3A_344 = %broadcast_in_dim3A_163, %scan3A_345 = %broadcast_in_dim3A_163, %scan3A_346 = %broadcast_in_dim3A_163, %scan3A_347 = %broadcast_in_dim3A_163, %scan3A_348 = %broadcast_in_dim3A_163, %scan3A_349 = %broadcast_in_dim3A_163) -> (vector<16xf32>, vector<16xf32>, vector<16xf32>, vector<16xf32>, vector<16xf32>, vector<16xf32>, vector<16xf32>, vector<16xf32>, vector<16xf32>, vector<16xf32>, vector<16xf32>, vector<16xf32>, vector<16xf32>, vector<16xf32>, vector<16xf32>, vector<16xf32>, vector<16xf32>, vector<16xf32>, vector<16xf32>, vector<16xf32>, vector<16xf32>, vector<16xf32>, vector<16xf32>, vector<16xf32>)  : i32 {
          %mul3A_350 = arith.constant 32 : i32
          %mul3A_351 = arith.muli %scan3A_325, %mul3A_350 : i32
          %add3A_352 = arith.constant 0 : i32
          %add3A_353 = arith.addi %mul3A_351, %add3A_352 : i32
          %get3A = arith.index_cast %sub3A_114 : i32 to index
          %get3A_354 = arith.index_cast %add3A_353 : i32 to index
          %get3A_355 = tpu.vector_load %arg8[%get3A, %get3A_354] {strides = array<i32>} : memref<8x1024xf32, #tpu.memory_space<vmem>>, vector<1x16xf32>,
          %get3A_356 = vector.shape_cast %get3A_355 : vector<1x16xf32> to vector<16xf32>
          %add3A_357 = arith.constant 1 : i32
          %add3A_358 = arith.addi %sub3A_114, %add3A_357 : i32
          %get3A_359 = arith.index_cast %add3A_358 : i32 to index
          %get3A_360 = arith.index_cast %add3A_353 : i32 to index
          %get3A_361 = tpu.vector_load %arg8[%get3A_359, %get3A_360] {strides = array<i32>} : memref<8x1024xf32, #tpu.memory_space<vmem>>, vector<1x16xf32>,
          %get3A_362 = vector.shape_cast %get3A_361 : vector<1x16xf32> to vector<16xf32>
          %get3A_363 = arith.constant 0 : i32
          %get3A_364 = arith.index_cast %get3A_363 : i32 to index
          %get3A_365 = arith.index_cast %add3A_353 : i32 to index
          %get3A_366 = tpu.vector_load %arg13[%get3A_364, %get3A_365] {strides = array<i32>} : memref<1x1024xf32, #tpu.memory_space<vmem>>, vector<1x16xf32>,
          %get3A_367 = vector.shape_cast %get3A_366 : vector<1x16xf32> to vector<16xf32>
          %mul3A_368 = arith.mulf %get3A_356, %get3A_367 : vector<16xf32>
          %add3A_369 = arith.addf %scan3A_326, %mul3A_368 : vector<16xf32>
          %mul3A_370 = arith.mulf %get3A_362, %get3A_367 : vector<16xf32>
          %add3A_371 = arith.addf %scan3A_338, %mul3A_370 : vector<16xf32>
          %get3A_372 = arith.constant 0 : i32
          %get3A_373 = arith.index_cast %get3A_372 : i32 to index
          %get3A_374 = arith.index_cast %add3A_353 : i32 to index
          %get3A_375 = tpu.vector_load %arg9[%get3A_373, %get3A_374] {strides = array<i32>} : memref<16x1024xf32, #tpu.memory_space<vmem>>, vector<1x16xf32>,
          %get3A_376 = vector.shape_cast %get3A_375 : vector<1x16xf32> to vector<16xf32>
          %mul3A_377 = arith.mulf %get3A_356, %get3A_376 : vector<16xf32>
          %add3A_378 = arith.addf %scan3A_327, %mul3A_377 : vector<16xf32>
          %get3A_379 = arith.constant 8 : i32
          %get3A_380 = arith.index_cast %get3A_379 : i32 to index
          %get3A_381 = arith.index_cast %add3A_353 : i32 to index
          %get3A_382 = tpu.vector_load %arg9[%get3A_380, %get3A_381] {strides = array<i32>} : memref<16x1024xf32, #tpu.memory_space<vmem>>, vector<1x16xf32>,
          %get3A_383 = vector.shape_cast %get3A_382 : vector<1x16xf32> to vector<16xf32>
          %mul3A_384 = arith.mulf %get3A_362, %get3A_383 : vector<16xf32>
          %add3A_385 = arith.addf %scan3A_339, %mul3A_384 : vector<16xf32>
          %get3A_386 = arith.constant 1 : i32
          %get3A_387 = arith.index_cast %get3A_386 : i32 to index
          %get3A_388 = arith.index_cast %add3A_353 : i32 to index
          %get3A_389 = tpu.vector_load %arg9[%get3A_387, %get3A_388] {strides = array<i32>} : memref<16x1024xf32, #tpu.memory_space<vmem>>, vector<1x16xf32>,
          %get3A_390 = vector.shape_cast %get3A_389 : vector<1x16xf32> to vector<16xf32>
          %mul3A_391 = arith.mulf %get3A_356, %get3A_390 : vector<16xf32>
          %add3A_392 = arith.addf %scan3A_328, %mul3A_391 : vector<16xf32>
          %get3A_393 = arith.constant 9 : i32
          %get3A_394 = arith.index_cast %get3A_393 : i32 to index
          %get3A_395 = arith.index_cast %add3A_353 : i32 to index
          %get3A_396 = tpu.vector_load %arg9[%get3A_394, %get3A_395] {strides = array<i32>} : memref<16x1024xf32, #tpu.memory_space<vmem>>, vector<1x16xf32>,
          %get3A_397 = vector.shape_cast %get3A_396 : vector<1x16xf32> to vector<16xf32>
          %mul3A_398 = arith.mulf %get3A_362, %get3A_397 : vector<16xf32>
          %add3A_399 = arith.addf %scan3A_340, %mul3A_398 : vector<16xf32>
          %get3A_400 = arith.constant 2 : i32
          %get3A_401 = arith.index_cast %get3A_400 : i32 to index
          %get3A_402 = arith.index_cast %add3A_353 : i32 to index
          %get3A_403 = tpu.vector_load %arg9[%get3A_401, %get3A_402] {strides = array<i32>} : memref<16x1024xf32, #tpu.memory_space<vmem>>, vector<1x16xf32>,
          %get3A_404 = vector.shape_cast %get3A_403 : vector<1x16xf32> to vector<16xf32>
          %mul3A_405 = arith.mulf %get3A_356, %get3A_404 : vector<16xf32>
          %add3A_406 = arith.addf %scan3A_329, %mul3A_405 : vector<16xf32>
          %get3A_407 = arith.constant 10 : i32
          %get3A_408 = arith.index_cast %get3A_407 : i32 to index
          %get3A_409 = arith.index_cast %add3A_353 : i32 to index
          %get3A_410 = tpu.vector_load %arg9[%get3A_408, %get3A_409] {strides = array<i32>} : memref<16x1024xf32, #tpu.memory_space<vmem>>, vector<1x16xf32>,
          %get3A_411 = vector.shape_cast %get3A_410 : vector<1x16xf32> to vector<16xf32>
          %mul3A_412 = arith.mulf %get3A_362, %get3A_411 : vector<16xf32>
          %add3A_413 = arith.addf %scan3A_341, %mul3A_412 : vector<16xf32>
          %get3A_414 = arith.constant 3 : i32
          %get3A_415 = arith.index_cast %get3A_414 : i32 to index
          %get3A_416 = arith.index_cast %add3A_353 : i32 to index
          %get3A_417 = tpu.vector_load %arg9[%get3A_415, %get3A_416] {strides = array<i32>} : memref<16x1024xf32, #tpu.memory_space<vmem>>, vector<1x16xf32>,
          %get3A_418 = vector.shape_cast %get3A_417 : vector<1x16xf32> to vector<16xf32>
          %mul3A_419 = arith.mulf %get3A_356, %get3A_418 : vector<16xf32>
          %add3A_420 = arith.addf %scan3A_330, %mul3A_419 : vector<16xf32>
          %get3A_421 = arith.constant 11 : i32
          %get3A_422 = arith.index_cast %get3A_421 : i32 to index
          %get3A_423 = arith.index_cast %add3A_353 : i32 to index
          %get3A_424 = tpu.vector_load %arg9[%get3A_422, %get3A_423] {strides = array<i32>} : memref<16x1024xf32, #tpu.memory_space<vmem>>, vector<1x16xf32>,
          %get3A_425 = vector.shape_cast %get3A_424 : vector<1x16xf32> to vector<16xf32>
          %mul3A_426 = arith.mulf %get3A_362, %get3A_425 : vector<16xf32>
          %add3A_427 = arith.addf %scan3A_342, %mul3A_426 : vector<16xf32>
          %get3A_428 = arith.constant 4 : i32
          %get3A_429 = arith.index_cast %get3A_428 : i32 to index
          %get3A_430 = arith.index_cast %add3A_353 : i32 to index
          %get3A_431 = tpu.vector_load %arg9[%get3A_429, %get3A_430] {strides = array<i32>} : memref<16x1024xf32, #tpu.memory_space<vmem>>, vector<1x16xf32>,
          %get3A_432 = vector.shape_cast %get3A_431 : vector<1x16xf32> to vector<16xf32>
          %mul3A_433 = arith.mulf %get3A_356, %get3A_432 : vector<16xf32>
          %add3A_434 = arith.addf %scan3A_331, %mul3A_433 : vector<16xf32>
          %get3A_435 = arith.constant 12 : i32
          %get3A_436 = arith.index_cast %get3A_435 : i32 to index
          %get3A_437 = arith.index_cast %add3A_353 : i32 to index
          %get3A_438 = tpu.vector_load %arg9[%get3A_436, %get3A_437] {strides = array<i32>} : memref<16x1024xf32, #tpu.memory_space<vmem>>, vector<1x16xf32>,
          %get3A_439 = vector.shape_cast %get3A_438 : vector<1x16xf32> to vector<16xf32>
          %mul3A_440 = arith.mulf %get3A_362, %get3A_439 : vector<16xf32>
          %add3A_441 = arith.addf %scan3A_343, %mul3A_440 : vector<16xf32>
          %get3A_442 = arith.constant 5 : i32
          %get3A_443 = arith.index_cast %get3A_442 : i32 to index
          %get3A_444 = arith.index_cast %add3A_353 : i32 to index
          %get3A_445 = tpu.vector_load %arg9[%get3A_443, %get3A_444] {strides = array<i32>} : memref<16x1024xf32, #tpu.memory_space<vmem>>, vector<1x16xf32>,
          %get3A_446 = vector.shape_cast %get3A_445 : vector<1x16xf32> to vector<16xf32>
          %mul3A_447 = arith.mulf %get3A_356, %get3A_446 : vector<16xf32>
          %add3A_448 = arith.addf %scan3A_332, %mul3A_447 : vector<16xf32>
          %get3A_449 = arith.constant 13 : i32
          %get3A_450 = arith.index_cast %get3A_449 : i32 to index
          %get3A_451 = arith.index_cast %add3A_353 : i32 to index
          %get3A_452 = tpu.vector_load %arg9[%get3A_450, %get3A_451] {strides = array<i32>} : memref<16x1024xf32, #tpu.memory_space<vmem>>, vector<1x16xf32>,
          %get3A_453 = vector.shape_cast %get3A_452 : vector<1x16xf32> to vector<16xf32>
          %mul3A_454 = arith.mulf %get3A_362, %get3A_453 : vector<16xf32>
          %add3A_455 = arith.addf %scan3A_344, %mul3A_454 : vector<16xf32>
          %get3A_456 = arith.constant 6 : i32
          %get3A_457 = arith.index_cast %get3A_456 : i32 to index
          %get3A_458 = arith.index_cast %add3A_353 : i32 to index
          %get3A_459 = tpu.vector_load %arg9[%get3A_457, %get3A_458] {strides = array<i32>} : memref<16x1024xf32, #tpu.memory_space<vmem>>, vector<1x16xf32>,
          %get3A_460 = vector.shape_cast %get3A_459 : vector<1x16xf32> to vector<16xf32>
          %mul3A_461 = arith.mulf %get3A_356, %get3A_460 : vector<16xf32>
          %add3A_462 = arith.addf %scan3A_333, %mul3A_461 : vector<16xf32>
          %get3A_463 = arith.constant 14 : i32
          %get3A_464 = arith.index_cast %get3A_463 : i32 to index
          %get3A_465 = arith.index_cast %add3A_353 : i32 to index
          %get3A_466 = tpu.vector_load %arg9[%get3A_464, %get3A_465] {strides = array<i32>} : memref<16x1024xf32, #tpu.memory_space<vmem>>, vector<1x16xf32>,
          %get3A_467 = vector.shape_cast %get3A_466 : vector<1x16xf32> to vector<16xf32>
          %mul3A_468 = arith.mulf %get3A_362, %get3A_467 : vector<16xf32>
          %add3A_469 = arith.addf %scan3A_345, %mul3A_468 : vector<16xf32>
          %get3A_470 = arith.constant 7 : i32
          %get3A_471 = arith.index_cast %get3A_470 : i32 to index
          %get3A_472 = arith.index_cast %add3A_353 : i32 to index
          %get3A_473 = tpu.vector_load %arg9[%get3A_471, %get3A_472] {strides = array<i32>} : memref<16x1024xf32, #tpu.memory_space<vmem>>, vector<1x16xf32>,
          %get3A_474 = vector.shape_cast %get3A_473 : vector<1x16xf32> to vector<16xf32>
          %mul3A_475 = arith.mulf %get3A_356, %get3A_474 : vector<16xf32>
          %add3A_476 = arith.addf %scan3A_334, %mul3A_475 : vector<16xf32>
          %get3A_477 = arith.constant 15 : i32
          %get3A_478 = arith.index_cast %get3A_477 : i32 to index
          %get3A_479 = arith.index_cast %add3A_353 : i32 to index
          %get3A_480 = tpu.vector_load %arg9[%get3A_478, %get3A_479] {strides = array<i32>} : memref<16x1024xf32, #tpu.memory_space<vmem>>, vector<1x16xf32>,
          %get3A_481 = vector.shape_cast %get3A_480 : vector<1x16xf32> to vector<16xf32>
          %mul3A_482 = arith.mulf %get3A_362, %get3A_481 : vector<16xf32>
          %add3A_483 = arith.addf %scan3A_346, %mul3A_482 : vector<16xf32>
          %get3A_484 = arith.index_cast %min3A_123 : i32 to index
          %get3A_485 = arith.index_cast %add3A_353 : i32 to index
          %get3A_486 = tpu.vector_load %arg11[%get3A_484, %get3A_485] {strides = array<i32>} : memref<32x1024xf32, #tpu.memory_space<vmem>>, vector<1x16xf32>,
          %get3A_487 = vector.shape_cast %get3A_486 : vector<1x16xf32> to vector<16xf32>
          %mul3A_488 = arith.mulf %get3A_356, %get3A_487 : vector<16xf32>
          %add3A_489 = arith.addf %scan3A_335, %mul3A_488 : vector<16xf32>
          %get3A_490 = arith.index_cast %min3A_148 : i32 to index
          %get3A_491 = arith.index_cast %add3A_353 : i32 to index
          %get3A_492 = tpu.vector_load %arg11[%get3A_490, %get3A_491] {strides = array<i32>} : memref<32x1024xf32, #tpu.memory_space<vmem>>, vector<1x16xf32>,
          %get3A_493 = vector.shape_cast %get3A_492 : vector<1x16xf32> to vector<16xf32>
          %mul3A_494 = arith.mulf %get3A_362, %get3A_493 : vector<16xf32>
          %add3A_495 = arith.addf %scan3A_347, %mul3A_494 : vector<16xf32>
          %get3A_496 = arith.index_cast %min3A_132 : i32 to index
          %get3A_497 = arith.index_cast %add3A_353 : i32 to index
          %get3A_498 = tpu.vector_load %arg11[%get3A_496, %get3A_497] {strides = array<i32>} : memref<32x1024xf32, #tpu.memory_space<vmem>>, vector<1x16xf32>,
          %get3A_499 = vector.shape_cast %get3A_498 : vector<1x16xf32> to vector<16xf32>
          %mul3A_500 = arith.mulf %get3A_356, %get3A_499 : vector<16xf32>
          %add3A_501 = arith.addf %scan3A_336, %mul3A_500 : vector<16xf32>
          %get3A_502 = arith.index_cast %min3A_155 : i32 to index
          %get3A_503 = arith.index_cast %add3A_353 : i32 to index
          %get3A_504 = tpu.vector_load %arg11[%get3A_502, %get3A_503] {strides = array<i32>} : memref<32x1024xf32, #tpu.memory_space<vmem>>, vector<1x16xf32>,
          %get3A_505 = vector.shape_cast %get3A_504 : vector<1x16xf32> to vector<16xf32>
          %mul3A_506 = arith.mulf %get3A_362, %get3A_505 : vector<16xf32>
          %add3A_507 = arith.addf %scan3A_348, %mul3A_506 : vector<16xf32>
          %get3A_508 = arith.index_cast %min3A_141 : i32 to index
          %get3A_509 = arith.index_cast %add3A_353 : i32 to index
          %get3A_510 = tpu.vector_load %arg11[%get3A_508, %get3A_509] {strides = array<i32>} : memref<32x1024xf32, #tpu.memory_space<vmem>>, vector<1x16xf32>,
          %get3A_511 = vector.shape_cast %get3A_510 : vector<1x16xf32> to vector<16xf32>
          %mul3A_512 = arith.mulf %get3A_356, %get3A_511 : vector<16xf32>
          %add3A_513 = arith.addf %scan3A_337, %mul3A_512 : vector<16xf32>
          %get3A_514 = arith.index_cast %min3A_162 : i32 to index
          %get3A_515 = arith.index_cast %add3A_353 : i32 to index
          %get3A_516 = tpu.vector_load %arg11[%get3A_514, %get3A_515] {strides = array<i32>} : memref<32x1024xf32, #tpu.memory_space<vmem>>, vector<1x16xf32>,
          %get3A_517 = vector.shape_cast %get3A_516 : vector<1x16xf32> to vector<16xf32>
          %mul3A_518 = arith.mulf %get3A_362, %get3A_517 : vector<16xf32>
          %add3A_519 = arith.addf %scan3A_349, %mul3A_518 : vector<16xf32>
          %mul3A_520 = arith.constant 32 : i32
          %mul3A_521 = arith.muli %scan3A_325, %mul3A_520 : i32
          %add3A_522 = arith.constant 16 : i32
          %add3A_523 = arith.addi %mul3A_521, %add3A_522 : i32
          %get3A_524 = arith.index_cast %sub3A_114 : i32 to index
          %get3A_525 = arith.index_cast %add3A_523 : i32 to index
          %get3A_526 = tpu.vector_load %arg8[%get3A_524, %get3A_525] {strides = array<i32>} : memref<8x1024xf32, #tpu.memory_space<vmem>>, vector<1x16xf32>,
          %get3A_527 = vector.shape_cast %get3A_526 : vector<1x16xf32> to vector<16xf32>
          %add3A_528 = arith.constant 1 : i32
          %add3A_529 = arith.addi %sub3A_114, %add3A_528 : i32
          %get3A_530 = arith.index_cast %add3A_529 : i32 to index
          %get3A_531 = arith.index_cast %add3A_523 : i32 to index
          %get3A_532 = tpu.vector_load %arg8[%get3A_530, %get3A_531] {strides = array<i32>} : memref<8x1024xf32, #tpu.memory_space<vmem>>, vector<1x16xf32>,
          %get3A_533 = vector.shape_cast %get3A_532 : vector<1x16xf32> to vector<16xf32>
          %get3A_534 = arith.constant 0 : i32
          %get3A_535 = arith.index_cast %get3A_534 : i32 to index
          %get3A_536 = arith.index_cast %add3A_523 : i32 to index
          %get3A_537 = tpu.vector_load %arg13[%get3A_535, %get3A_536] {strides = array<i32>} : memref<1x1024xf32, #tpu.memory_space<vmem>>, vector<1x16xf32>,
          %get3A_538 = vector.shape_cast %get3A_537 : vector<1x16xf32> to vector<16xf32>
          %mul3A_539 = arith.mulf %get3A_527, %get3A_538 : vector<16xf32>
          %add3A_540 = arith.addf %add3A_369, %mul3A_539 : vector<16xf32>
          %mul3A_541 = arith.mulf %get3A_533, %get3A_538 : vector<16xf32>
          %add3A_542 = arith.addf %add3A_371, %mul3A_541 : vector<16xf32>
          %get3A_543 = arith.constant 0 : i32
          %get3A_544 = arith.index_cast %get3A_543 : i32 to index
          %get3A_545 = arith.index_cast %add3A_523 : i32 to index
          %get3A_546 = tpu.vector_load %arg9[%get3A_544, %get3A_545] {strides = array<i32>} : memref<16x1024xf32, #tpu.memory_space<vmem>>, vector<1x16xf32>,
          %get3A_547 = vector.shape_cast %get3A_546 : vector<1x16xf32> to vector<16xf32>
          %mul3A_548 = arith.mulf %get3A_527, %get3A_547 : vector<16xf32>
          %add3A_549 = arith.addf %add3A_378, %mul3A_548 : vector<16xf32>
          %get3A_550 = arith.constant 8 : i32
          %get3A_551 = arith.index_cast %get3A_550 : i32 to index
          %get3A_552 = arith.index_cast %add3A_523 : i32 to index
          %get3A_553 = tpu.vector_load %arg9[%get3A_551, %get3A_552] {strides = array<i32>} : memref<16x1024xf32, #tpu.memory_space<vmem>>, vector<1x16xf32>,
          %get3A_554 = vector.shape_cast %get3A_553 : vector<1x16xf32> to vector<16xf32>
          %mul3A_555 = arith.mulf %get3A_533, %get3A_554 : vector<16xf32>
          %add3A_556 = arith.addf %add3A_385, %mul3A_555 : vector<16xf32>
          %get3A_557 = arith.constant 1 : i32
          %get3A_558 = arith.index_cast %get3A_557 : i32 to index
          %get3A_559 = arith.index_cast %add3A_523 : i32 to index
          %get3A_560 = tpu.vector_load %arg9[%get3A_558, %get3A_559] {strides = array<i32>} : memref<16x1024xf32, #tpu.memory_space<vmem>>, vector<1x16xf32>,
          %get3A_561 = vector.shape_cast %get3A_560 : vector<1x16xf32> to vector<16xf32>
          %mul3A_562 = arith.mulf %get3A_527, %get3A_561 : vector<16xf32>
          %add3A_563 = arith.addf %add3A_392, %mul3A_562 : vector<16xf32>
          %get3A_564 = arith.constant 9 : i32
          %get3A_565 = arith.index_cast %get3A_564 : i32 to index
          %get3A_566 = arith.index_cast %add3A_523 : i32 to index
          %get3A_567 = tpu.vector_load %arg9[%get3A_565, %get3A_566] {strides = array<i32>} : memref<16x1024xf32, #tpu.memory_space<vmem>>, vector<1x16xf32>,
          %get3A_568 = vector.shape_cast %get3A_567 : vector<1x16xf32> to vector<16xf32>
          %mul3A_569 = arith.mulf %get3A_533, %get3A_568 : vector<16xf32>
          %add3A_570 = arith.addf %add3A_399, %mul3A_569 : vector<16xf32>
          %get3A_571 = arith.constant 2 : i32
          %get3A_572 = arith.index_cast %get3A_571 : i32 to index
          %get3A_573 = arith.index_cast %add3A_523 : i32 to index
          %get3A_574 = tpu.vector_load %arg9[%get3A_572, %get3A_573] {strides = array<i32>} : memref<16x1024xf32, #tpu.memory_space<vmem>>, vector<1x16xf32>,
          %get3A_575 = vector.shape_cast %get3A_574 : vector<1x16xf32> to vector<16xf32>
          %mul3A_576 = arith.mulf %get3A_527, %get3A_575 : vector<16xf32>
          %add3A_577 = arith.addf %add3A_406, %mul3A_576 : vector<16xf32>
          %get3A_578 = arith.constant 10 : i32
          %get3A_579 = arith.index_cast %get3A_578 : i32 to index
          %get3A_580 = arith.index_cast %add3A_523 : i32 to index
          %get3A_581 = tpu.vector_load %arg9[%get3A_579, %get3A_580] {strides = array<i32>} : memref<16x1024xf32, #tpu.memory_space<vmem>>, vector<1x16xf32>,
          %get3A_582 = vector.shape_cast %get3A_581 : vector<1x16xf32> to vector<16xf32>
          %mul3A_583 = arith.mulf %get3A_533, %get3A_582 : vector<16xf32>
          %add3A_584 = arith.addf %add3A_413, %mul3A_583 : vector<16xf32>
          %get3A_585 = arith.constant 3 : i32
          %get3A_586 = arith.index_cast %get3A_585 : i32 to index
          %get3A_587 = arith.index_cast %add3A_523 : i32 to index
          %get3A_588 = tpu.vector_load %arg9[%get3A_586, %get3A_587] {strides = array<i32>} : memref<16x1024xf32, #tpu.memory_space<vmem>>, vector<1x16xf32>,
          %get3A_589 = vector.shape_cast %get3A_588 : vector<1x16xf32> to vector<16xf32>
          %mul3A_590 = arith.mulf %get3A_527, %get3A_589 : vector<16xf32>
          %add3A_591 = arith.addf %add3A_420, %mul3A_590 : vector<16xf32>
          %get3A_592 = arith.constant 11 : i32
          %get3A_593 = arith.index_cast %get3A_592 : i32 to index
          %get3A_594 = arith.index_cast %add3A_523 : i32 to index
          %get3A_595 = tpu.vector_load %arg9[%get3A_593, %get3A_594] {strides = array<i32>} : memref<16x1024xf32, #tpu.memory_space<vmem>>, vector<1x16xf32>,
          %get3A_596 = vector.shape_cast %get3A_595 : vector<1x16xf32> to vector<16xf32>
          %mul3A_597 = arith.mulf %get3A_533, %get3A_596 : vector<16xf32>
          %add3A_598 = arith.addf %add3A_427, %mul3A_597 : vector<16xf32>
          %get3A_599 = arith.constant 4 : i32
          %get3A_600 = arith.index_cast %get3A_599 : i32 to index
          %get3A_601 = arith.index_cast %add3A_523 : i32 to index
          %get3A_602 = tpu.vector_load %arg9[%get3A_600, %get3A_601] {strides = array<i32>} : memref<16x1024xf32, #tpu.memory_space<vmem>>, vector<1x16xf32>,
          %get3A_603 = vector.shape_cast %get3A_602 : vector<1x16xf32> to vector<16xf32>
          %mul3A_604 = arith.mulf %get3A_527, %get3A_603 : vector<16xf32>
          %add3A_605 = arith.addf %add3A_434, %mul3A_604 : vector<16xf32>
          %get3A_606 = arith.constant 12 : i32
          %get3A_607 = arith.index_cast %get3A_606 : i32 to index
          %get3A_608 = arith.index_cast %add3A_523 : i32 to index
          %get3A_609 = tpu.vector_load %arg9[%get3A_607, %get3A_608] {strides = array<i32>} : memref<16x1024xf32, #tpu.memory_space<vmem>>, vector<1x16xf32>,
          %get3A_610 = vector.shape_cast %get3A_609 : vector<1x16xf32> to vector<16xf32>
          %mul3A_611 = arith.mulf %get3A_533, %get3A_610 : vector<16xf32>
          %add3A_612 = arith.addf %add3A_441, %mul3A_611 : vector<16xf32>
          %get3A_613 = arith.constant 5 : i32
          %get3A_614 = arith.index_cast %get3A_613 : i32 to index
          %get3A_615 = arith.index_cast %add3A_523 : i32 to index
          %get3A_616 = tpu.vector_load %arg9[%get3A_614, %get3A_615] {strides = array<i32>} : memref<16x1024xf32, #tpu.memory_space<vmem>>, vector<1x16xf32>,
          %get3A_617 = vector.shape_cast %get3A_616 : vector<1x16xf32> to vector<16xf32>
          %mul3A_618 = arith.mulf %get3A_527, %get3A_617 : vector<16xf32>
          %add3A_619 = arith.addf %add3A_448, %mul3A_618 : vector<16xf32>
          %get3A_620 = arith.constant 13 : i32
          %get3A_621 = arith.index_cast %get3A_620 : i32 to index
          %get3A_622 = arith.index_cast %add3A_523 : i32 to index
          %get3A_623 = tpu.vector_load %arg9[%get3A_621, %get3A_622] {strides = array<i32>} : memref<16x1024xf32, #tpu.memory_space<vmem>>, vector<1x16xf32>,
          %get3A_624 = vector.shape_cast %get3A_623 : vector<1x16xf32> to vector<16xf32>
          %mul3A_625 = arith.mulf %get3A_533, %get3A_624 : vector<16xf32>
          %add3A_626 = arith.addf %add3A_455, %mul3A_625 : vector<16xf32>
          %get3A_627 = arith.constant 6 : i32
          %get3A_628 = arith.index_cast %get3A_627 : i32 to index
          %get3A_629 = arith.index_cast %add3A_523 : i32 to index
          %get3A_630 = tpu.vector_load %arg9[%get3A_628, %get3A_629] {strides = array<i32>} : memref<16x1024xf32, #tpu.memory_space<vmem>>, vector<1x16xf32>,
          %get3A_631 = vector.shape_cast %get3A_630 : vector<1x16xf32> to vector<16xf32>
          %mul3A_632 = arith.mulf %get3A_527, %get3A_631 : vector<16xf32>
          %add3A_633 = arith.addf %add3A_462, %mul3A_632 : vector<16xf32>
          %get3A_634 = arith.constant 14 : i32
          %get3A_635 = arith.index_cast %get3A_634 : i32 to index
          %get3A_636 = arith.index_cast %add3A_523 : i32 to index
          %get3A_637 = tpu.vector_load %arg9[%get3A_635, %get3A_636] {strides = array<i32>} : memref<16x1024xf32, #tpu.memory_space<vmem>>, vector<1x16xf32>,
          %get3A_638 = vector.shape_cast %get3A_637 : vector<1x16xf32> to vector<16xf32>
          %mul3A_639 = arith.mulf %get3A_533, %get3A_638 : vector<16xf32>
          %add3A_640 = arith.addf %add3A_469, %mul3A_639 : vector<16xf32>
          %get3A_641 = arith.constant 7 : i32
          %get3A_642 = arith.index_cast %get3A_641 : i32 to index
          %get3A_643 = arith.index_cast %add3A_523 : i32 to index
          %get3A_644 = tpu.vector_load %arg9[%get3A_642, %get3A_643] {strides = array<i32>} : memref<16x1024xf32, #tpu.memory_space<vmem>>, vector<1x16xf32>,
          %get3A_645 = vector.shape_cast %get3A_644 : vector<1x16xf32> to vector<16xf32>
          %mul3A_646 = arith.mulf %get3A_527, %get3A_645 : vector<16xf32>
          %add3A_647 = arith.addf %add3A_476, %mul3A_646 : vector<16xf32>
          %get3A_648 = arith.constant 15 : i32
          %get3A_649 = arith.index_cast %get3A_648 : i32 to index
          %get3A_650 = arith.index_cast %add3A_523 : i32 to index
          %get3A_651 = tpu.vector_load %arg9[%get3A_649, %get3A_650] {strides = array<i32>} : memref<16x1024xf32, #tpu.memory_space<vmem>>, vector<1x16xf32>,
          %get3A_652 = vector.shape_cast %get3A_651 : vector<1x16xf32> to vector<16xf32>
          %mul3A_653 = arith.mulf %get3A_533, %get3A_652 : vector<16xf32>
          %add3A_654 = arith.addf %add3A_483, %mul3A_653 : vector<16xf32>
          %get3A_655 = arith.index_cast %min3A_123 : i32 to index
          %get3A_656 = arith.index_cast %add3A_523 : i32 to index
          %get3A_657 = tpu.vector_load %arg11[%get3A_655, %get3A_656] {strides = array<i32>} : memref<32x1024xf32, #tpu.memory_space<vmem>>, vector<1x16xf32>,
          %get3A_658 = vector.shape_cast %get3A_657 : vector<1x16xf32> to vector<16xf32>
          %mul3A_659 = arith.mulf %get3A_527, %get3A_658 : vector<16xf32>
          %add3A_660 = arith.addf %add3A_489, %mul3A_659 : vector<16xf32>
          %get3A_661 = arith.index_cast %min3A_148 : i32 to index
          %get3A_662 = arith.index_cast %add3A_523 : i32 to index
          %get3A_663 = tpu.vector_load %arg11[%get3A_661, %get3A_662] {strides = array<i32>} : memref<32x1024xf32, #tpu.memory_space<vmem>>, vector<1x16xf32>,
          %get3A_664 = vector.shape_cast %get3A_663 : vector<1x16xf32> to vector<16xf32>
          %mul3A_665 = arith.mulf %get3A_533, %get3A_664 : vector<16xf32>
          %add3A_666 = arith.addf %add3A_495, %mul3A_665 : vector<16xf32>
          %get3A_667 = arith.index_cast %min3A_132 : i32 to index
          %get3A_668 = arith.index_cast %add3A_523 : i32 to index
          %get3A_669 = tpu.vector_load %arg11[%get3A_667, %get3A_668] {strides = array<i32>} : memref<32x1024xf32, #tpu.memory_space<vmem>>, vector<1x16xf32>,
          %get3A_670 = vector.shape_cast %get3A_669 : vector<1x16xf32> to vector<16xf32>
          %mul3A_671 = arith.mulf %get3A_527, %get3A_670 : vector<16xf32>
          %add3A_672 = arith.addf %add3A_501, %mul3A_671 : vector<16xf32>
          %get3A_673 = arith.index_cast %min3A_155 : i32 to index
          %get3A_674 = arith.index_cast %add3A_523 : i32 to index
          %get3A_675 = tpu.vector_load %arg11[%get3A_673, %get3A_674] {strides = array<i32>} : memref<32x1024xf32, #tpu.memory_space<vmem>>, vector<1x16xf32>,
          %get3A_676 = vector.shape_cast %get3A_675 : vector<1x16xf32> to vector<16xf32>
          %mul3A_677 = arith.mulf %get3A_533, %get3A_676 : vector<16xf32>
          %add3A_678 = arith.addf %add3A_507, %mul3A_677 : vector<16xf32>
          %get3A_679 = arith.index_cast %min3A_141 : i32 to index
          %get3A_680 = arith.index_cast %add3A_523 : i32 to index
          %get3A_681 = tpu.vector_load %arg11[%get3A_679, %get3A_680] {strides = array<i32>} : memref<32x1024xf32, #tpu.memory_space<vmem>>, vector<1x16xf32>,
          %get3A_682 = vector.shape_cast %get3A_681 : vector<1x16xf32> to vector<16xf32>
          %mul3A_683 = arith.mulf %get3A_527, %get3A_682 : vector<16xf32>
          %add3A_684 = arith.addf %add3A_513, %mul3A_683 : vector<16xf32>
          %get3A_685 = arith.index_cast %min3A_162 : i32 to index
          %get3A_686 = arith.index_cast %add3A_523 : i32 to index
          %get3A_687 = tpu.vector_load %arg11[%get3A_685, %get3A_686] {strides = array<i32>} : memref<32x1024xf32, #tpu.memory_space<vmem>>, vector<1x16xf32>,
          %get3A_688 = vector.shape_cast %get3A_687 : vector<1x16xf32> to vector<16xf32>
          %mul3A_689 = arith.mulf %get3A_533, %get3A_688 : vector<16xf32>
          %add3A_690 = arith.addf %add3A_519, %mul3A_689 : vector<16xf32>
          scf.yield %add3A_540, %add3A_549, %add3A_563, %add3A_577, %add3A_591, %add3A_605, %add3A_619, %add3A_633, %add3A_647, %add3A_660, %add3A_672, %add3A_684, %add3A_542, %add3A_556, %add3A_570, %add3A_584, %add3A_598, %add3A_612, %add3A_626, %add3A_640, %add3A_654, %add3A_666, %add3A_678, %add3A_690 : vector<16xf32>, vector<16xf32>, vector<16xf32>, vector<16xf32>, vector<16xf32>, vector<16xf32>, vector<16xf32>, vector<16xf32>, vector<16xf32>, vector<16xf32>, vector<16xf32>, vector<16xf32>, vector<16xf32>, vector<16xf32>, vector<16xf32>, vector<16xf32>, vector<16xf32>, vector<16xf32>, vector<16xf32>, vector<16xf32>, vector<16xf32>, vector<16xf32>, vector<16xf32>, vector<16xf32>
        }
        %scan3A_169 = arith.constant 32 : i32
        %max3A_170 = arith.maximumf %scan3A_168#0, %scan3A_168#1 : vector<16xf32>
        %max3A_171 = arith.maximumf %max3A_170, %scan3A_168#2 : vector<16xf32>
        %max3A_172 = arith.maximumf %max3A_171, %scan3A_168#3 : vector<16xf32>
        %max3A_173 = arith.maximumf %max3A_172, %scan3A_168#4 : vector<16xf32>
        %max3A_174 = arith.maximumf %max3A_173, %scan3A_168#5 : vector<16xf32>
        %max3A_175 = arith.maximumf %max3A_174, %scan3A_168#6 : vector<16xf32>
        %max3A_176 = arith.maximumf %max3A_175, %scan3A_168#7 : vector<16xf32>
        %max3A_177 = arith.maximumf %max3A_176, %scan3A_168#8 : vector<16xf32>
        %max3A_178 = arith.maximumf %max3A_177, %scan3A_168#9 : vector<16xf32>
        %max3A_179 = arith.maximumf %max3A_178, %scan3A_168#10 : vector<16xf32>
        %max3A_180 = arith.maximumf %max3A_179, %scan3A_168#11 : vector<16xf32>
        %sub3A_181 = arith.subf %scan3A_168#0, %max3A_180 : vector<16xf32>
        %exp3A = math.exp %sub3A_181 : vector<16xf32>
        %sub3A_182 = arith.subf %scan3A_168#1, %max3A_180 : vector<16xf32>
        %exp3A_183 = math.exp %sub3A_182 : vector<16xf32>
        %sub3A_184 = arith.subf %scan3A_168#2, %max3A_180 : vector<16xf32>
        %exp3A_185 = math.exp %sub3A_184 : vector<16xf32>
        %sub3A_186 = arith.subf %scan3A_168#3, %max3A_180 : vector<16xf32>
        %exp3A_187 = math.exp %sub3A_186 : vector<16xf32>
        %sub3A_188 = arith.subf %scan3A_168#4, %max3A_180 : vector<16xf32>
        %exp3A_189 = math.exp %sub3A_188 : vector<16xf32>
        %sub3A_190 = arith.subf %scan3A_168#5, %max3A_180 : vector<16xf32>
        %exp3A_191 = math.exp %sub3A_190 : vector<16xf32>
        %sub3A_192 = arith.subf %scan3A_168#6, %max3A_180 : vector<16xf32>
        %exp3A_193 = math.exp %sub3A_192 : vector<16xf32>
        %sub3A_194 = arith.subf %scan3A_168#7, %max3A_180 : vector<16xf32>
        %exp3A_195 = math.exp %sub3A_194 : vector<16xf32>
        %sub3A_196 = arith.subf %scan3A_168#8, %max3A_180 : vector<16xf32>
        %exp3A_197 = math.exp %sub3A_196 : vector<16xf32>
        %sub3A_198 = arith.subf %scan3A_168#9, %max3A_180 : vector<16xf32>
        %exp3A_199 = math.exp %sub3A_198 : vector<16xf32>
        %sub3A_200 = arith.subf %scan3A_168#10, %max3A_180 : vector<16xf32>
        %exp3A_201 = math.exp %sub3A_200 : vector<16xf32>
        %sub3A_202 = arith.subf %scan3A_168#11, %max3A_180 : vector<16xf32>
        %exp3A_203 = math.exp %sub3A_202 : vector<16xf32>
        %add3A_204 = arith.addf %exp3A, %exp3A_183 : vector<16xf32>
        %add3A_205 = arith.addf %add3A_204, %exp3A_185 : vector<16xf32>
        %add3A_206 = arith.addf %add3A_205, %exp3A_187 : vector<16xf32>
        %add3A_207 = arith.addf %add3A_206, %exp3A_189 : vector<16xf32>
        %add3A_208 = arith.addf %add3A_207, %exp3A_191 : vector<16xf32>
        %add3A_209 = arith.addf %add3A_208, %exp3A_193 : vector<16xf32>
        %add3A_210 = arith.addf %add3A_209, %exp3A_195 : vector<16xf32>
        %add3A_211 = arith.addf %add3A_210, %exp3A_197 : vector<16xf32>
        %add3A_212 = arith.addf %add3A_211, %exp3A_199 : vector<16xf32>
        %add3A_213 = arith.addf %add3A_212, %exp3A_201 : vector<16xf32>
        %add3A_214 = arith.addf %add3A_213, %exp3A_203 : vector<16xf32>
        %div3A_215 = arith.constant 1.000000e+00 : f32
        %div3A_216 = vector.broadcast %div3A_215 : f32 to vector<16xf32>
        %div3A_217 = arith.divf %div3A_216, %add3A_214 : vector<16xf32>
        %mul3A_218 = arith.mulf %exp3A, %div3A_217 : vector<16xf32>
        %mul3A_219 = arith.mulf %exp3A_183, %div3A_217 : vector<16xf32>
        %mul3A_220 = arith.mulf %exp3A_185, %div3A_217 : vector<16xf32>
        %mul3A_221 = arith.mulf %exp3A_187, %div3A_217 : vector<16xf32>
        %mul3A_222 = arith.mulf %exp3A_189, %div3A_217 : vector<16xf32>
        %mul3A_223 = arith.mulf %exp3A_191, %div3A_217 : vector<16xf32>
        %mul3A_224 = arith.mulf %exp3A_193, %div3A_217 : vector<16xf32>
        %mul3A_225 = arith.mulf %exp3A_195, %div3A_217 : vector<16xf32>
        %mul3A_226 = arith.mulf %exp3A_197, %div3A_217 : vector<16xf32>
        %mul3A_227 = arith.mulf %exp3A_199, %div3A_217 : vector<16xf32>
        %mul3A_228 = arith.mulf %exp3A_201, %div3A_217 : vector<16xf32>
        %mul3A_229 = arith.mulf %exp3A_203, %div3A_217 : vector<16xf32>
        %max3A_230 = arith.maximumf %scan3A_168#12, %scan3A_168#13 : vector<16xf32>
        %max3A_231 = arith.maximumf %max3A_230, %scan3A_168#14 : vector<16xf32>
        %max3A_232 = arith.maximumf %max3A_231, %scan3A_168#15 : vector<16xf32>
        %max3A_233 = arith.maximumf %max3A_232, %scan3A_168#16 : vector<16xf32>
        %max3A_234 = arith.maximumf %max3A_233, %scan3A_168#17 : vector<16xf32>
        %max3A_235 = arith.maximumf %max3A_234, %scan3A_168#18 : vector<16xf32>
        %max3A_236 = arith.maximumf %max3A_235, %scan3A_168#19 : vector<16xf32>
        %max3A_237 = arith.maximumf %max3A_236, %scan3A_168#20 : vector<16xf32>
        %max3A_238 = arith.maximumf %max3A_237, %scan3A_168#21 : vector<16xf32>
        %max3A_239 = arith.maximumf %max3A_238, %scan3A_168#22 : vector<16xf32>
        %max3A_240 = arith.maximumf %max3A_239, %scan3A_168#23 : vector<16xf32>
        %sub3A_241 = arith.subf %scan3A_168#12, %max3A_240 : vector<16xf32>
        %exp3A_242 = math.exp %sub3A_241 : vector<16xf32>
        %sub3A_243 = arith.subf %scan3A_168#13, %max3A_240 : vector<16xf32>
        %exp3A_244 = math.exp %sub3A_243 : vector<16xf32>
        %sub3A_245 = arith.subf %scan3A_168#14, %max3A_240 : vector<16xf32>
        %exp3A_246 = math.exp %sub3A_245 : vector<16xf32>
        %sub3A_247 = arith.subf %scan3A_168#15, %max3A_240 : vector<16xf32>
        %exp3A_248 = math.exp %sub3A_247 : vector<16xf32>
        %sub3A_249 = arith.subf %scan3A_168#16, %max3A_240 : vector<16xf32>
        %exp3A_250 = math.exp %sub3A_249 : vector<16xf32>
        %sub3A_251 = arith.subf %scan3A_168#17, %max3A_240 : vector<16xf32>
        %exp3A_252 = math.exp %sub3A_251 : vector<16xf32>
        %sub3A_253 = arith.subf %scan3A_168#18, %max3A_240 : vector<16xf32>
        %exp3A_254 = math.exp %sub3A_253 : vector<16xf32>
        %sub3A_255 = arith.subf %scan3A_168#19, %max3A_240 : vector<16xf32>
        %exp3A_256 = math.exp %sub3A_255 : vector<16xf32>
        %sub3A_257 = arith.subf %scan3A_168#20, %max3A_240 : vector<16xf32>
        %exp3A_258 = math.exp %sub3A_257 : vector<16xf32>
        %sub3A_259 = arith.subf %scan3A_168#21, %max3A_240 : vector<16xf32>
        %exp3A_260 = math.exp %sub3A_259 : vector<16xf32>
        %sub3A_261 = arith.subf %scan3A_168#22, %max3A_240 : vector<16xf32>
        %exp3A_262 = math.exp %sub3A_261 : vector<16xf32>
        %sub3A_263 = arith.subf %scan3A_168#23, %max3A_240 : vector<16xf32>
        %exp3A_264 = math.exp %sub3A_263 : vector<16xf32>
        %add3A_265 = arith.addf %exp3A_242, %exp3A_244 : vector<16xf32>
        %add3A_266 = arith.addf %add3A_265, %exp3A_246 : vector<16xf32>
        %add3A_267 = arith.addf %add3A_266, %exp3A_248 : vector<16xf32>
        %add3A_268 = arith.addf %add3A_267, %exp3A_250 : vector<16xf32>
        %add3A_269 = arith.addf %add3A_268, %exp3A_252 : vector<16xf32>
        %add3A_270 = arith.addf %add3A_269, %exp3A_254 : vector<16xf32>
        %add3A_271 = arith.addf %add3A_270, %exp3A_256 : vector<16xf32>
        %add3A_272 = arith.addf %add3A_271, %exp3A_258 : vector<16xf32>
        %add3A_273 = arith.addf %add3A_272, %exp3A_260 : vector<16xf32>
        %add3A_274 = arith.addf %add3A_273, %exp3A_262 : vector<16xf32>
        %add3A_275 = arith.addf %add3A_274, %exp3A_264 : vector<16xf32>
        %div3A_276 = arith.constant 1.000000e+00 : f32
        %div3A_277 = vector.broadcast %div3A_276 : f32 to vector<16xf32>
        %div3A_278 = arith.divf %div3A_277, %add3A_275 : vector<16xf32>
        %mul3A_279 = arith.mulf %exp3A_242, %div3A_278 : vector<16xf32>
        %mul3A_280 = arith.mulf %exp3A_244, %div3A_278 : vector<16xf32>
        %mul3A_281 = arith.mulf %exp3A_246, %div3A_278 : vector<16xf32>
        %mul3A_282 = arith.mulf %exp3A_248, %div3A_278 : vector<16xf32>
        %mul3A_283 = arith.mulf %exp3A_250, %div3A_278 : vector<16xf32>
        %mul3A_284 = arith.mulf %exp3A_252, %div3A_278 : vector<16xf32>
        %mul3A_285 = arith.mulf %exp3A_254, %div3A_278 : vector<16xf32>
        %mul3A_286 = arith.mulf %exp3A_256, %div3A_278 : vector<16xf32>
        %mul3A_287 = arith.mulf %exp3A_258, %div3A_278 : vector<16xf32>
        %mul3A_288 = arith.mulf %exp3A_260, %div3A_278 : vector<16xf32>
        %mul3A_289 = arith.mulf %exp3A_262, %div3A_278 : vector<16xf32>
        %mul3A_290 = arith.mulf %exp3A_264, %div3A_278 : vector<16xf32>
        %eq3A = arith.constant 0 : i32
        %eq3A_291 = arith.cmpi eq, %scan3A_70, %eq3A : i32
        %convert_element_type3A = arith.extui %eq3A_291 : i1 to i32
        %cond3A = arith.constant 0 : i32
        %cond3A_292 = arith.cmpi ne, %convert_element_type3A, %cond3A : i32
        scf.if %cond3A_292 {
          %dma_wait3A_325 = arith.constant 0 : i32
          %dma_wait3A_326 = tpu.memref_slice %arg4[%multiple_of3A_50, %dma_wait3A_325] : memref<4096x1024xf32, #tpu.memory_space<hbm>> -> memref<32x1024xf32, #tpu.memory_space<hbm>>
          %dma_wait3A_327 = arith.constant 0 : i32
          %dma_wait3A_328 = tpu.memref_slice %arg4[%multiple_of3A_50, %dma_wait3A_327] : memref<4096x1024xf32, #tpu.memory_space<hbm>> -> memref<32x1024xf32, #tpu.memory_space<hbm>>
          tpu.wait_dma2 semaphore(%arg18 : memref<!tpu.dma_semaphore, #tpu.memory_space<semaphore_mem>>) src(%dma_wait3A_328 : memref<32x1024xf32, #tpu.memory_space<hbm>>) dst(%arg12 : memref<32x1024xf32, #tpu.memory_space<vmem>>)
        } else {
        }
        %dma_wait3A_293 = arith.constant 0 : i32
        %dma_wait3A_294 = tpu.memref_slice %arg7[%add3A_73, %dma_wait3A_293] : memref<64x16xi32, #tpu.memory_space<vmem>> -> memref<1x16xi32, #tpu.memory_space<vmem>>
        %dma_wait3A_295 = tpu.memref_squeeze %dma_wait3A_294 : memref<1x16xi32, #tpu.memory_space<vmem>> -> memref<16xi32, #tpu.memory_space<vmem>>
        %dma_wait3A_296 = arith.constant 0 : i32
        %dma_wait3A_297 = arith.constant 0 : i32
        %dma_wait3A_298 = tpu.memref_slice %arg4[%dma_wait3A_296, %dma_wait3A_297] : memref<4096x1024xf32, #tpu.memory_space<hbm>> -> memref<4096x1024xf32, #tpu.memory_space<hbm>>
        tpu.wait_indirect_dma semaphore(%arg17 : memref<!tpu.dma_semaphore, #tpu.memory_space<semaphore_mem>>) src(%dma_wait3A_298 : memref<4096x1024xf32, #tpu.memory_space<hbm>>) dst(%arg10 : memref<16x1024xf32, #tpu.memory_space<vmem>>)
        %add3A_299 = arith.constant 1 : i32
        %add3A_300 = arith.addi %add3A_73, %add3A_299 : i32
        %min3A_301 = arith.constant 63 : i32
        %min3A_302 = arith.minsi %add3A_300, %min3A_301 : i32
        %dma_start3A_303 = arith.constant 0 : i32
        %dma_start3A_304 = tpu.memref_slice %arg7[%min3A_302, %dma_start3A_303] : memref<64x16xi32, #tpu.memory_space<vmem>> -> memref<1x16xi32, #tpu.memory_space<vmem>>
        %dma_start3A_305 = tpu.memref_squeeze %dma_start3A_304 : memref<1x16xi32, #tpu.memory_space<vmem>> -> memref<16xi32, #tpu.memory_space<vmem>>
        %dma_start3A_306 = arith.constant 0 : i32
        %dma_start3A_307 = arith.constant 0 : i32
        %dma_start3A_308 = tpu.memref_slice %arg3[%dma_start3A_306, %dma_start3A_307] : memref<4096x1024xf32, #tpu.memory_space<hbm>> -> memref<4096x1024xf32, #tpu.memory_space<hbm>>
        tpu.enqueue_indirect_dma source(%dma_start3A_308 : memref<4096x1024xf32, #tpu.memory_space<hbm>>) target(%arg9 : memref<16x1024xf32, #tpu.memory_space<vmem>>) offsets(%dma_start3A_305 : memref<16xi32, #tpu.memory_space<vmem>>) semaphore(%arg16 : memref<!tpu.dma_semaphore, #tpu.memory_space<semaphore_mem>>)
        %scan3A_309 = arith.constant 0 : i32
        %scan3A_310 = arith.constant 0 : i32
        %scan3A_311 = arith.constant 32 : i32
        %scan3A_312 = arith.addi %scan3A_310, %scan3A_311 : i32
        %scan3A_313 = arith.constant 1 : i32
        scf.for %scan3A_325 = %scan3A_310 to %scan3A_312 step %scan3A_313  : i32 {
          %mul3A_326 = arith.constant 32 : i32
          %mul3A_327 = arith.muli %scan3A_325, %mul3A_326 : i32
          %add3A_328 = arith.constant 0 : i32
          %add3A_329 = arith.addi %mul3A_327, %add3A_328 : i32
          %get3A = arith.constant 0 : i32
          %get3A_330 = arith.index_cast %get3A : i32 to index
          %get3A_331 = arith.index_cast %add3A_329 : i32 to index
          %get3A_332 = tpu.vector_load %arg14[%get3A_330, %get3A_331] {strides = array<i32>} : memref<1x1024xf32, #tpu.memory_space<vmem>>, vector<1x16xf32>,
          %get3A_333 = vector.shape_cast %get3A_332 : vector<1x16xf32> to vector<16xf32>
          %mul3A_334 = arith.mulf %mul3A_218, %get3A_333 : vector<16xf32>
          %mul3A_335 = arith.mulf %mul3A_279, %get3A_333 : vector<16xf32>
          %get3A_336 = arith.constant 0 : i32
          %get3A_337 = arith.index_cast %get3A_336 : i32 to index
          %get3A_338 = arith.index_cast %add3A_329 : i32 to index
          %get3A_339 = tpu.vector_load %arg10[%get3A_337, %get3A_338] {strides = array<i32>} : memref<16x1024xf32, #tpu.memory_space<vmem>>, vector<1x16xf32>,
          %get3A_340 = vector.shape_cast %get3A_339 : vector<1x16xf32> to vector<16xf32>
          %mul3A_341 = arith.mulf %mul3A_219, %get3A_340 : vector<16xf32>
          %add3A_342 = arith.addf %mul3A_334, %mul3A_341 : vector<16xf32>
          %get3A_343 = arith.constant 8 : i32
          %get3A_344 = arith.index_cast %get3A_343 : i32 to index
          %get3A_345 = arith.index_cast %add3A_329 : i32 to index
          %get3A_346 = tpu.vector_load %arg10[%get3A_344, %get3A_345] {strides = array<i32>} : memref<16x1024xf32, #tpu.memory_space<vmem>>, vector<1x16xf32>,
          %get3A_347 = vector.shape_cast %get3A_346 : vector<1x16xf32> to vector<16xf32>
          %mul3A_348 = arith.mulf %mul3A_280, %get3A_347 : vector<16xf32>
          %add3A_349 = arith.addf %mul3A_335, %mul3A_348 : vector<16xf32>
          %get3A_350 = arith.constant 1 : i32
          %get3A_351 = arith.index_cast %get3A_350 : i32 to index
          %get3A_352 = arith.index_cast %add3A_329 : i32 to index
          %get3A_353 = tpu.vector_load %arg10[%get3A_351, %get3A_352] {strides = array<i32>} : memref<16x1024xf32, #tpu.memory_space<vmem>>, vector<1x16xf32>,
          %get3A_354 = vector.shape_cast %get3A_353 : vector<1x16xf32> to vector<16xf32>
          %mul3A_355 = arith.mulf %mul3A_220, %get3A_354 : vector<16xf32>
          %add3A_356 = arith.addf %add3A_342, %mul3A_355 : vector<16xf32>
          %get3A_357 = arith.constant 9 : i32
          %get3A_358 = arith.index_cast %get3A_357 : i32 to index
          %get3A_359 = arith.index_cast %add3A_329 : i32 to index
          %get3A_360 = tpu.vector_load %arg10[%get3A_358, %get3A_359] {strides = array<i32>} : memref<16x1024xf32, #tpu.memory_space<vmem>>, vector<1x16xf32>,
          %get3A_361 = vector.shape_cast %get3A_360 : vector<1x16xf32> to vector<16xf32>
          %mul3A_362 = arith.mulf %mul3A_281, %get3A_361 : vector<16xf32>
          %add3A_363 = arith.addf %add3A_349, %mul3A_362 : vector<16xf32>
          %get3A_364 = arith.constant 2 : i32
          %get3A_365 = arith.index_cast %get3A_364 : i32 to index
          %get3A_366 = arith.index_cast %add3A_329 : i32 to index
          %get3A_367 = tpu.vector_load %arg10[%get3A_365, %get3A_366] {strides = array<i32>} : memref<16x1024xf32, #tpu.memory_space<vmem>>, vector<1x16xf32>,
          %get3A_368 = vector.shape_cast %get3A_367 : vector<1x16xf32> to vector<16xf32>
          %mul3A_369 = arith.mulf %mul3A_221, %get3A_368 : vector<16xf32>
          %add3A_370 = arith.addf %add3A_356, %mul3A_369 : vector<16xf32>
          %get3A_371 = arith.constant 10 : i32
          %get3A_372 = arith.index_cast %get3A_371 : i32 to index
          %get3A_373 = arith.index_cast %add3A_329 : i32 to index
          %get3A_374 = tpu.vector_load %arg10[%get3A_372, %get3A_373] {strides = array<i32>} : memref<16x1024xf32, #tpu.memory_space<vmem>>, vector<1x16xf32>,
          %get3A_375 = vector.shape_cast %get3A_374 : vector<1x16xf32> to vector<16xf32>
          %mul3A_376 = arith.mulf %mul3A_282, %get3A_375 : vector<16xf32>
          %add3A_377 = arith.addf %add3A_363, %mul3A_376 : vector<16xf32>
          %get3A_378 = arith.constant 3 : i32
          %get3A_379 = arith.index_cast %get3A_378 : i32 to index
          %get3A_380 = arith.index_cast %add3A_329 : i32 to index
          %get3A_381 = tpu.vector_load %arg10[%get3A_379, %get3A_380] {strides = array<i32>} : memref<16x1024xf32, #tpu.memory_space<vmem>>, vector<1x16xf32>,
          %get3A_382 = vector.shape_cast %get3A_381 : vector<1x16xf32> to vector<16xf32>
          %mul3A_383 = arith.mulf %mul3A_222, %get3A_382 : vector<16xf32>
          %add3A_384 = arith.addf %add3A_370, %mul3A_383 : vector<16xf32>
          %get3A_385 = arith.constant 11 : i32
          %get3A_386 = arith.index_cast %get3A_385 : i32 to index
          %get3A_387 = arith.index_cast %add3A_329 : i32 to index
          %get3A_388 = tpu.vector_load %arg10[%get3A_386, %get3A_387] {strides = array<i32>} : memref<16x1024xf32, #tpu.memory_space<vmem>>, vector<1x16xf32>,
          %get3A_389 = vector.shape_cast %get3A_388 : vector<1x16xf32> to vector<16xf32>
          %mul3A_390 = arith.mulf %mul3A_283, %get3A_389 : vector<16xf32>
          %add3A_391 = arith.addf %add3A_377, %mul3A_390 : vector<16xf32>
          %get3A_392 = arith.constant 4 : i32
          %get3A_393 = arith.index_cast %get3A_392 : i32 to index
          %get3A_394 = arith.index_cast %add3A_329 : i32 to index
          %get3A_395 = tpu.vector_load %arg10[%get3A_393, %get3A_394] {strides = array<i32>} : memref<16x1024xf32, #tpu.memory_space<vmem>>, vector<1x16xf32>,
          %get3A_396 = vector.shape_cast %get3A_395 : vector<1x16xf32> to vector<16xf32>
          %mul3A_397 = arith.mulf %mul3A_223, %get3A_396 : vector<16xf32>
          %add3A_398 = arith.addf %add3A_384, %mul3A_397 : vector<16xf32>
          %get3A_399 = arith.constant 12 : i32
          %get3A_400 = arith.index_cast %get3A_399 : i32 to index
          %get3A_401 = arith.index_cast %add3A_329 : i32 to index
          %get3A_402 = tpu.vector_load %arg10[%get3A_400, %get3A_401] {strides = array<i32>} : memref<16x1024xf32, #tpu.memory_space<vmem>>, vector<1x16xf32>,
          %get3A_403 = vector.shape_cast %get3A_402 : vector<1x16xf32> to vector<16xf32>
          %mul3A_404 = arith.mulf %mul3A_284, %get3A_403 : vector<16xf32>
          %add3A_405 = arith.addf %add3A_391, %mul3A_404 : vector<16xf32>
          %get3A_406 = arith.constant 5 : i32
          %get3A_407 = arith.index_cast %get3A_406 : i32 to index
          %get3A_408 = arith.index_cast %add3A_329 : i32 to index
          %get3A_409 = tpu.vector_load %arg10[%get3A_407, %get3A_408] {strides = array<i32>} : memref<16x1024xf32, #tpu.memory_space<vmem>>, vector<1x16xf32>,
          %get3A_410 = vector.shape_cast %get3A_409 : vector<1x16xf32> to vector<16xf32>
          %mul3A_411 = arith.mulf %mul3A_224, %get3A_410 : vector<16xf32>
          %add3A_412 = arith.addf %add3A_398, %mul3A_411 : vector<16xf32>
          %get3A_413 = arith.constant 13 : i32
          %get3A_414 = arith.index_cast %get3A_413 : i32 to index
          %get3A_415 = arith.index_cast %add3A_329 : i32 to index
          %get3A_416 = tpu.vector_load %arg10[%get3A_414, %get3A_415] {strides = array<i32>} : memref<16x1024xf32, #tpu.memory_space<vmem>>, vector<1x16xf32>,
          %get3A_417 = vector.shape_cast %get3A_416 : vector<1x16xf32> to vector<16xf32>
          %mul3A_418 = arith.mulf %mul3A_285, %get3A_417 : vector<16xf32>
          %add3A_419 = arith.addf %add3A_405, %mul3A_418 : vector<16xf32>
          %get3A_420 = arith.constant 6 : i32
          %get3A_421 = arith.index_cast %get3A_420 : i32 to index
          %get3A_422 = arith.index_cast %add3A_329 : i32 to index
          %get3A_423 = tpu.vector_load %arg10[%get3A_421, %get3A_422] {strides = array<i32>} : memref<16x1024xf32, #tpu.memory_space<vmem>>, vector<1x16xf32>,
          %get3A_424 = vector.shape_cast %get3A_423 : vector<1x16xf32> to vector<16xf32>
          %mul3A_425 = arith.mulf %mul3A_225, %get3A_424 : vector<16xf32>
          %add3A_426 = arith.addf %add3A_412, %mul3A_425 : vector<16xf32>
          %get3A_427 = arith.constant 14 : i32
          %get3A_428 = arith.index_cast %get3A_427 : i32 to index
          %get3A_429 = arith.index_cast %add3A_329 : i32 to index
          %get3A_430 = tpu.vector_load %arg10[%get3A_428, %get3A_429] {strides = array<i32>} : memref<16x1024xf32, #tpu.memory_space<vmem>>, vector<1x16xf32>,
          %get3A_431 = vector.shape_cast %get3A_430 : vector<1x16xf32> to vector<16xf32>
          %mul3A_432 = arith.mulf %mul3A_286, %get3A_431 : vector<16xf32>
          %add3A_433 = arith.addf %add3A_419, %mul3A_432 : vector<16xf32>
          %get3A_434 = arith.constant 7 : i32
          %get3A_435 = arith.index_cast %get3A_434 : i32 to index
          %get3A_436 = arith.index_cast %add3A_329 : i32 to index
          %get3A_437 = tpu.vector_load %arg10[%get3A_435, %get3A_436] {strides = array<i32>} : memref<16x1024xf32, #tpu.memory_space<vmem>>, vector<1x16xf32>,
          %get3A_438 = vector.shape_cast %get3A_437 : vector<1x16xf32> to vector<16xf32>
          %mul3A_439 = arith.mulf %mul3A_226, %get3A_438 : vector<16xf32>
          %add3A_440 = arith.addf %add3A_426, %mul3A_439 : vector<16xf32>
          %get3A_441 = arith.constant 15 : i32
          %get3A_442 = arith.index_cast %get3A_441 : i32 to index
          %get3A_443 = arith.index_cast %add3A_329 : i32 to index
          %get3A_444 = tpu.vector_load %arg10[%get3A_442, %get3A_443] {strides = array<i32>} : memref<16x1024xf32, #tpu.memory_space<vmem>>, vector<1x16xf32>,
          %get3A_445 = vector.shape_cast %get3A_444 : vector<1x16xf32> to vector<16xf32>
          %mul3A_446 = arith.mulf %mul3A_287, %get3A_445 : vector<16xf32>
          %add3A_447 = arith.addf %add3A_433, %mul3A_446 : vector<16xf32>
          %get3A_448 = arith.index_cast %min3A_123 : i32 to index
          %get3A_449 = arith.index_cast %add3A_329 : i32 to index
          %get3A_450 = tpu.vector_load %arg12[%get3A_448, %get3A_449] {strides = array<i32>} : memref<32x1024xf32, #tpu.memory_space<vmem>>, vector<1x16xf32>,
          %get3A_451 = vector.shape_cast %get3A_450 : vector<1x16xf32> to vector<16xf32>
          %mul3A_452 = arith.mulf %mul3A_227, %get3A_451 : vector<16xf32>
          %add3A_453 = arith.addf %add3A_440, %mul3A_452 : vector<16xf32>
          %get3A_454 = arith.index_cast %min3A_148 : i32 to index
          %get3A_455 = arith.index_cast %add3A_329 : i32 to index
          %get3A_456 = tpu.vector_load %arg12[%get3A_454, %get3A_455] {strides = array<i32>} : memref<32x1024xf32, #tpu.memory_space<vmem>>, vector<1x16xf32>,
          %get3A_457 = vector.shape_cast %get3A_456 : vector<1x16xf32> to vector<16xf32>
          %mul3A_458 = arith.mulf %mul3A_288, %get3A_457 : vector<16xf32>
          %add3A_459 = arith.addf %add3A_447, %mul3A_458 : vector<16xf32>
          %get3A_460 = arith.index_cast %min3A_132 : i32 to index
          %get3A_461 = arith.index_cast %add3A_329 : i32 to index
          %get3A_462 = tpu.vector_load %arg12[%get3A_460, %get3A_461] {strides = array<i32>} : memref<32x1024xf32, #tpu.memory_space<vmem>>, vector<1x16xf32>,
          %get3A_463 = vector.shape_cast %get3A_462 : vector<1x16xf32> to vector<16xf32>
          %mul3A_464 = arith.mulf %mul3A_228, %get3A_463 : vector<16xf32>
          %add3A_465 = arith.addf %add3A_453, %mul3A_464 : vector<16xf32>
          %get3A_466 = arith.index_cast %min3A_155 : i32 to index
          %get3A_467 = arith.index_cast %add3A_329 : i32 to index
          %get3A_468 = tpu.vector_load %arg12[%get3A_466, %get3A_467] {strides = array<i32>} : memref<32x1024xf32, #tpu.memory_space<vmem>>, vector<1x16xf32>,
          %get3A_469 = vector.shape_cast %get3A_468 : vector<1x16xf32> to vector<16xf32>
          %mul3A_470 = arith.mulf %mul3A_289, %get3A_469 : vector<16xf32>
          %add3A_471 = arith.addf %add3A_459, %mul3A_470 : vector<16xf32>
          %get3A_472 = arith.index_cast %min3A_141 : i32 to index
          %get3A_473 = arith.index_cast %add3A_329 : i32 to index
          %get3A_474 = tpu.vector_load %arg12[%get3A_472, %get3A_473] {strides = array<i32>} : memref<32x1024xf32, #tpu.memory_space<vmem>>, vector<1x16xf32>,
          %get3A_475 = vector.shape_cast %get3A_474 : vector<1x16xf32> to vector<16xf32>
          %mul3A_476 = arith.mulf %mul3A_229, %get3A_475 : vector<16xf32>
          %add3A_477 = arith.addf %add3A_465, %mul3A_476 : vector<16xf32>
          %get3A_478 = arith.index_cast %min3A_162 : i32 to index
          %get3A_479 = arith.index_cast %add3A_329 : i32 to index
          %get3A_480 = tpu.vector_load %arg12[%get3A_478, %get3A_479] {strides = array<i32>} : memref<32x1024xf32, #tpu.memory_space<vmem>>, vector<1x16xf32>,
          %get3A_481 = vector.shape_cast %get3A_480 : vector<1x16xf32> to vector<16xf32>
          %mul3A_482 = arith.mulf %mul3A_290, %get3A_481 : vector<16xf32>
          %add3A_483 = arith.addf %add3A_471, %mul3A_482 : vector<16xf32>
          %swap3A = arith.index_cast %sub3A_114 : i32 to index
          %swap3A_484 = arith.index_cast %add3A_329 : i32 to index
          %swap3A_485 = tpu.vector_load %arg15[%swap3A, %swap3A_484] {strides = array<i32>} : memref<8x1024xf32, #tpu.memory_space<vmem>>, vector<1x16xf32>,
          %swap3A_486 = vector.shape_cast %swap3A_485 : vector<1x16xf32> to vector<16xf32>
          %swap3A_487 = vector.shape_cast %add3A_477 : vector<16xf32> to vector<1x16xf32>
          tpu.vector_store %arg15[%swap3A, %swap3A_484], %swap3A_487 {strides = array<i32>} : memref<8x1024xf32, #tpu.memory_space<vmem>>, vector<1x16xf32>,
          %add3A_488 = arith.constant 1 : i32
          %add3A_489 = arith.addi %sub3A_114, %add3A_488 : i32
          %swap3A_490 = arith.index_cast %add3A_489 : i32 to index
          %swap3A_491 = arith.index_cast %add3A_329 : i32 to index
          %swap3A_492 = tpu.vector_load %arg15[%swap3A_490, %swap3A_491] {strides = array<i32>} : memref<8x1024xf32, #tpu.memory_space<vmem>>, vector<1x16xf32>,
          %swap3A_493 = vector.shape_cast %swap3A_492 : vector<1x16xf32> to vector<16xf32>
          %swap3A_494 = vector.shape_cast %add3A_483 : vector<16xf32> to vector<1x16xf32>
          tpu.vector_store %arg15[%swap3A_490, %swap3A_491], %swap3A_494 {strides = array<i32>} : memref<8x1024xf32, #tpu.memory_space<vmem>>, vector<1x16xf32>,
          %mul3A_495 = arith.constant 32 : i32
          %mul3A_496 = arith.muli %scan3A_325, %mul3A_495 : i32
          %add3A_497 = arith.constant 16 : i32
          %add3A_498 = arith.addi %mul3A_496, %add3A_497 : i32
          %get3A_499 = arith.constant 0 : i32
          %get3A_500 = arith.index_cast %get3A_499 : i32 to index
          %get3A_501 = arith.index_cast %add3A_498 : i32 to index
          %get3A_502 = tpu.vector_load %arg14[%get3A_500, %get3A_501] {strides = array<i32>} : memref<1x1024xf32, #tpu.memory_space<vmem>>, vector<1x16xf32>,
          %get3A_503 = vector.shape_cast %get3A_502 : vector<1x16xf32> to vector<16xf32>
          %mul3A_504 = arith.mulf %mul3A_218, %get3A_503 : vector<16xf32>
          %mul3A_505 = arith.mulf %mul3A_279, %get3A_503 : vector<16xf32>
          %get3A_506 = arith.constant 0 : i32
          %get3A_507 = arith.index_cast %get3A_506 : i32 to index
          %get3A_508 = arith.index_cast %add3A_498 : i32 to index
          %get3A_509 = tpu.vector_load %arg10[%get3A_507, %get3A_508] {strides = array<i32>} : memref<16x1024xf32, #tpu.memory_space<vmem>>, vector<1x16xf32>,
          %get3A_510 = vector.shape_cast %get3A_509 : vector<1x16xf32> to vector<16xf32>
          %mul3A_511 = arith.mulf %mul3A_219, %get3A_510 : vector<16xf32>
          %add3A_512 = arith.addf %mul3A_504, %mul3A_511 : vector<16xf32>
          %get3A_513 = arith.constant 8 : i32
          %get3A_514 = arith.index_cast %get3A_513 : i32 to index
          %get3A_515 = arith.index_cast %add3A_498 : i32 to index
          %get3A_516 = tpu.vector_load %arg10[%get3A_514, %get3A_515] {strides = array<i32>} : memref<16x1024xf32, #tpu.memory_space<vmem>>, vector<1x16xf32>,
          %get3A_517 = vector.shape_cast %get3A_516 : vector<1x16xf32> to vector<16xf32>
          %mul3A_518 = arith.mulf %mul3A_280, %get3A_517 : vector<16xf32>
          %add3A_519 = arith.addf %mul3A_505, %mul3A_518 : vector<16xf32>
          %get3A_520 = arith.constant 1 : i32
          %get3A_521 = arith.index_cast %get3A_520 : i32 to index
          %get3A_522 = arith.index_cast %add3A_498 : i32 to index
          %get3A_523 = tpu.vector_load %arg10[%get3A_521, %get3A_522] {strides = array<i32>} : memref<16x1024xf32, #tpu.memory_space<vmem>>, vector<1x16xf32>,
          %get3A_524 = vector.shape_cast %get3A_523 : vector<1x16xf32> to vector<16xf32>
          %mul3A_525 = arith.mulf %mul3A_220, %get3A_524 : vector<16xf32>
          %add3A_526 = arith.addf %add3A_512, %mul3A_525 : vector<16xf32>
          %get3A_527 = arith.constant 9 : i32
          %get3A_528 = arith.index_cast %get3A_527 : i32 to index
          %get3A_529 = arith.index_cast %add3A_498 : i32 to index
          %get3A_530 = tpu.vector_load %arg10[%get3A_528, %get3A_529] {strides = array<i32>} : memref<16x1024xf32, #tpu.memory_space<vmem>>, vector<1x16xf32>,
          %get3A_531 = vector.shape_cast %get3A_530 : vector<1x16xf32> to vector<16xf32>
          %mul3A_532 = arith.mulf %mul3A_281, %get3A_531 : vector<16xf32>
          %add3A_533 = arith.addf %add3A_519, %mul3A_532 : vector<16xf32>
          %get3A_534 = arith.constant 2 : i32
          %get3A_535 = arith.index_cast %get3A_534 : i32 to index
          %get3A_536 = arith.index_cast %add3A_498 : i32 to index
          %get3A_537 = tpu.vector_load %arg10[%get3A_535, %get3A_536] {strides = array<i32>} : memref<16x1024xf32, #tpu.memory_space<vmem>>, vector<1x16xf32>,
          %get3A_538 = vector.shape_cast %get3A_537 : vector<1x16xf32> to vector<16xf32>
          %mul3A_539 = arith.mulf %mul3A_221, %get3A_538 : vector<16xf32>
          %add3A_540 = arith.addf %add3A_526, %mul3A_539 : vector<16xf32>
          %get3A_541 = arith.constant 10 : i32
          %get3A_542 = arith.index_cast %get3A_541 : i32 to index
          %get3A_543 = arith.index_cast %add3A_498 : i32 to index
          %get3A_544 = tpu.vector_load %arg10[%get3A_542, %get3A_543] {strides = array<i32>} : memref<16x1024xf32, #tpu.memory_space<vmem>>, vector<1x16xf32>,
          %get3A_545 = vector.shape_cast %get3A_544 : vector<1x16xf32> to vector<16xf32>
          %mul3A_546 = arith.mulf %mul3A_282, %get3A_545 : vector<16xf32>
          %add3A_547 = arith.addf %add3A_533, %mul3A_546 : vector<16xf32>
          %get3A_548 = arith.constant 3 : i32
          %get3A_549 = arith.index_cast %get3A_548 : i32 to index
          %get3A_550 = arith.index_cast %add3A_498 : i32 to index
          %get3A_551 = tpu.vector_load %arg10[%get3A_549, %get3A_550] {strides = array<i32>} : memref<16x1024xf32, #tpu.memory_space<vmem>>, vector<1x16xf32>,
          %get3A_552 = vector.shape_cast %get3A_551 : vector<1x16xf32> to vector<16xf32>
          %mul3A_553 = arith.mulf %mul3A_222, %get3A_552 : vector<16xf32>
          %add3A_554 = arith.addf %add3A_540, %mul3A_553 : vector<16xf32>
          %get3A_555 = arith.constant 11 : i32
          %get3A_556 = arith.index_cast %get3A_555 : i32 to index
          %get3A_557 = arith.index_cast %add3A_498 : i32 to index
          %get3A_558 = tpu.vector_load %arg10[%get3A_556, %get3A_557] {strides = array<i32>} : memref<16x1024xf32, #tpu.memory_space<vmem>>, vector<1x16xf32>,
          %get3A_559 = vector.shape_cast %get3A_558 : vector<1x16xf32> to vector<16xf32>
          %mul3A_560 = arith.mulf %mul3A_283, %get3A_559 : vector<16xf32>
          %add3A_561 = arith.addf %add3A_547, %mul3A_560 : vector<16xf32>
          %get3A_562 = arith.constant 4 : i32
          %get3A_563 = arith.index_cast %get3A_562 : i32 to index
          %get3A_564 = arith.index_cast %add3A_498 : i32 to index
          %get3A_565 = tpu.vector_load %arg10[%get3A_563, %get3A_564] {strides = array<i32>} : memref<16x1024xf32, #tpu.memory_space<vmem>>, vector<1x16xf32>,
          %get3A_566 = vector.shape_cast %get3A_565 : vector<1x16xf32> to vector<16xf32>
          %mul3A_567 = arith.mulf %mul3A_223, %get3A_566 : vector<16xf32>
          %add3A_568 = arith.addf %add3A_554, %mul3A_567 : vector<16xf32>
          %get3A_569 = arith.constant 12 : i32
          %get3A_570 = arith.index_cast %get3A_569 : i32 to index
          %get3A_571 = arith.index_cast %add3A_498 : i32 to index
          %get3A_572 = tpu.vector_load %arg10[%get3A_570, %get3A_571] {strides = array<i32>} : memref<16x1024xf32, #tpu.memory_space<vmem>>, vector<1x16xf32>,
          %get3A_573 = vector.shape_cast %get3A_572 : vector<1x16xf32> to vector<16xf32>
          %mul3A_574 = arith.mulf %mul3A_284, %get3A_573 : vector<16xf32>
          %add3A_575 = arith.addf %add3A_561, %mul3A_574 : vector<16xf32>
          %get3A_576 = arith.constant 5 : i32
          %get3A_577 = arith.index_cast %get3A_576 : i32 to index
          %get3A_578 = arith.index_cast %add3A_498 : i32 to index
          %get3A_579 = tpu.vector_load %arg10[%get3A_577, %get3A_578] {strides = array<i32>} : memref<16x1024xf32, #tpu.memory_space<vmem>>, vector<1x16xf32>,
          %get3A_580 = vector.shape_cast %get3A_579 : vector<1x16xf32> to vector<16xf32>
          %mul3A_581 = arith.mulf %mul3A_224, %get3A_580 : vector<16xf32>
          %add3A_582 = arith.addf %add3A_568, %mul3A_581 : vector<16xf32>
          %get3A_583 = arith.constant 13 : i32
          %get3A_584 = arith.index_cast %get3A_583 : i32 to index
          %get3A_585 = arith.index_cast %add3A_498 : i32 to index
          %get3A_586 = tpu.vector_load %arg10[%get3A_584, %get3A_585] {strides = array<i32>} : memref<16x1024xf32, #tpu.memory_space<vmem>>, vector<1x16xf32>,
          %get3A_587 = vector.shape_cast %get3A_586 : vector<1x16xf32> to vector<16xf32>
          %mul3A_588 = arith.mulf %mul3A_285, %get3A_587 : vector<16xf32>
          %add3A_589 = arith.addf %add3A_575, %mul3A_588 : vector<16xf32>
          %get3A_590 = arith.constant 6 : i32
          %get3A_591 = arith.index_cast %get3A_590 : i32 to index
          %get3A_592 = arith.index_cast %add3A_498 : i32 to index
          %get3A_593 = tpu.vector_load %arg10[%get3A_591, %get3A_592] {strides = array<i32>} : memref<16x1024xf32, #tpu.memory_space<vmem>>, vector<1x16xf32>,
          %get3A_594 = vector.shape_cast %get3A_593 : vector<1x16xf32> to vector<16xf32>
          %mul3A_595 = arith.mulf %mul3A_225, %get3A_594 : vector<16xf32>
          %add3A_596 = arith.addf %add3A_582, %mul3A_595 : vector<16xf32>
          %get3A_597 = arith.constant 14 : i32
          %get3A_598 = arith.index_cast %get3A_597 : i32 to index
          %get3A_599 = arith.index_cast %add3A_498 : i32 to index
          %get3A_600 = tpu.vector_load %arg10[%get3A_598, %get3A_599] {strides = array<i32>} : memref<16x1024xf32, #tpu.memory_space<vmem>>, vector<1x16xf32>,
          %get3A_601 = vector.shape_cast %get3A_600 : vector<1x16xf32> to vector<16xf32>
          %mul3A_602 = arith.mulf %mul3A_286, %get3A_601 : vector<16xf32>
          %add3A_603 = arith.addf %add3A_589, %mul3A_602 : vector<16xf32>
          %get3A_604 = arith.constant 7 : i32
          %get3A_605 = arith.index_cast %get3A_604 : i32 to index
          %get3A_606 = arith.index_cast %add3A_498 : i32 to index
          %get3A_607 = tpu.vector_load %arg10[%get3A_605, %get3A_606] {strides = array<i32>} : memref<16x1024xf32, #tpu.memory_space<vmem>>, vector<1x16xf32>,
          %get3A_608 = vector.shape_cast %get3A_607 : vector<1x16xf32> to vector<16xf32>
          %mul3A_609 = arith.mulf %mul3A_226, %get3A_608 : vector<16xf32>
          %add3A_610 = arith.addf %add3A_596, %mul3A_609 : vector<16xf32>
          %get3A_611 = arith.constant 15 : i32
          %get3A_612 = arith.index_cast %get3A_611 : i32 to index
          %get3A_613 = arith.index_cast %add3A_498 : i32 to index
          %get3A_614 = tpu.vector_load %arg10[%get3A_612, %get3A_613] {strides = array<i32>} : memref<16x1024xf32, #tpu.memory_space<vmem>>, vector<1x16xf32>,
          %get3A_615 = vector.shape_cast %get3A_614 : vector<1x16xf32> to vector<16xf32>
          %mul3A_616 = arith.mulf %mul3A_287, %get3A_615 : vector<16xf32>
          %add3A_617 = arith.addf %add3A_603, %mul3A_616 : vector<16xf32>
          %get3A_618 = arith.index_cast %min3A_123 : i32 to index
          %get3A_619 = arith.index_cast %add3A_498 : i32 to index
          %get3A_620 = tpu.vector_load %arg12[%get3A_618, %get3A_619] {strides = array<i32>} : memref<32x1024xf32, #tpu.memory_space<vmem>>, vector<1x16xf32>,
          %get3A_621 = vector.shape_cast %get3A_620 : vector<1x16xf32> to vector<16xf32>
          %mul3A_622 = arith.mulf %mul3A_227, %get3A_621 : vector<16xf32>
          %add3A_623 = arith.addf %add3A_610, %mul3A_622 : vector<16xf32>
          %get3A_624 = arith.index_cast %min3A_148 : i32 to index
          %get3A_625 = arith.index_cast %add3A_498 : i32 to index
          %get3A_626 = tpu.vector_load %arg12[%get3A_624, %get3A_625] {strides = array<i32>} : memref<32x1024xf32, #tpu.memory_space<vmem>>, vector<1x16xf32>,
          %get3A_627 = vector.shape_cast %get3A_626 : vector<1x16xf32> to vector<16xf32>
          %mul3A_628 = arith.mulf %mul3A_288, %get3A_627 : vector<16xf32>
          %add3A_629 = arith.addf %add3A_617, %mul3A_628 : vector<16xf32>
          %get3A_630 = arith.index_cast %min3A_132 : i32 to index
          %get3A_631 = arith.index_cast %add3A_498 : i32 to index
          %get3A_632 = tpu.vector_load %arg12[%get3A_630, %get3A_631] {strides = array<i32>} : memref<32x1024xf32, #tpu.memory_space<vmem>>, vector<1x16xf32>,
          %get3A_633 = vector.shape_cast %get3A_632 : vector<1x16xf32> to vector<16xf32>
          %mul3A_634 = arith.mulf %mul3A_228, %get3A_633 : vector<16xf32>
          %add3A_635 = arith.addf %add3A_623, %mul3A_634 : vector<16xf32>
          %get3A_636 = arith.index_cast %min3A_155 : i32 to index
          %get3A_637 = arith.index_cast %add3A_498 : i32 to index
          %get3A_638 = tpu.vector_load %arg12[%get3A_636, %get3A_637] {strides = array<i32>} : memref<32x1024xf32, #tpu.memory_space<vmem>>, vector<1x16xf32>,
          %get3A_639 = vector.shape_cast %get3A_638 : vector<1x16xf32> to vector<16xf32>
          %mul3A_640 = arith.mulf %mul3A_289, %get3A_639 : vector<16xf32>
          %add3A_641 = arith.addf %add3A_629, %mul3A_640 : vector<16xf32>
          %get3A_642 = arith.index_cast %min3A_141 : i32 to index
          %get3A_643 = arith.index_cast %add3A_498 : i32 to index
          %get3A_644 = tpu.vector_load %arg12[%get3A_642, %get3A_643] {strides = array<i32>} : memref<32x1024xf32, #tpu.memory_space<vmem>>, vector<1x16xf32>,
          %get3A_645 = vector.shape_cast %get3A_644 : vector<1x16xf32> to vector<16xf32>
          %mul3A_646 = arith.mulf %mul3A_229, %get3A_645 : vector<16xf32>
          %add3A_647 = arith.addf %add3A_635, %mul3A_646 : vector<16xf32>
          %get3A_648 = arith.index_cast %min3A_162 : i32 to index
          %get3A_649 = arith.index_cast %add3A_498 : i32 to index
          %get3A_650 = tpu.vector_load %arg12[%get3A_648, %get3A_649] {strides = array<i32>} : memref<32x1024xf32, #tpu.memory_space<vmem>>, vector<1x16xf32>,
          %get3A_651 = vector.shape_cast %get3A_650 : vector<1x16xf32> to vector<16xf32>
          %mul3A_652 = arith.mulf %mul3A_290, %get3A_651 : vector<16xf32>
          %add3A_653 = arith.addf %add3A_641, %mul3A_652 : vector<16xf32>
          %swap3A_654 = arith.index_cast %sub3A_114 : i32 to index
          %swap3A_655 = arith.index_cast %add3A_498 : i32 to index
          %swap3A_656 = tpu.vector_load %arg15[%swap3A_654, %swap3A_655] {strides = array<i32>} : memref<8x1024xf32, #tpu.memory_space<vmem>>, vector<1x16xf32>,
          %swap3A_657 = vector.shape_cast %swap3A_656 : vector<1x16xf32> to vector<16xf32>
          %swap3A_658 = vector.shape_cast %add3A_647 : vector<16xf32> to vector<1x16xf32>
          tpu.vector_store %arg15[%swap3A_654, %swap3A_655], %swap3A_658 {strides = array<i32>} : memref<8x1024xf32, #tpu.memory_space<vmem>>, vector<1x16xf32>,
          %add3A_659 = arith.constant 1 : i32
          %add3A_660 = arith.addi %sub3A_114, %add3A_659 : i32
          %swap3A_661 = arith.index_cast %add3A_660 : i32 to index
          %swap3A_662 = arith.index_cast %add3A_498 : i32 to index
          %swap3A_663 = tpu.vector_load %arg15[%swap3A_661, %swap3A_662] {strides = array<i32>} : memref<8x1024xf32, #tpu.memory_space<vmem>>, vector<1x16xf32>,
          %swap3A_664 = vector.shape_cast %swap3A_663 : vector<1x16xf32> to vector<16xf32>
          %swap3A_665 = vector.shape_cast %add3A_653 : vector<16xf32> to vector<1x16xf32>
          tpu.vector_store %arg15[%swap3A_661, %swap3A_662], %swap3A_665 {strides = array<i32>} : memref<8x1024xf32, #tpu.memory_space<vmem>>, vector<1x16xf32>,
        }
        %scan3A_314 = arith.constant 32 : i32
        %eq3A_315 = arith.constant 3 : i32
        %eq3A_316 = arith.cmpi eq, %scan3A_70, %eq3A_315 : i32
        %convert_element_type3A_317 = arith.extui %eq3A_316 : i1 to i32
        %cond3A_318 = arith.constant 0 : i32
        %cond3A_319 = arith.cmpi ne, %convert_element_type3A_317, %cond3A_318 : i32
        scf.if %cond3A_319 {
          "tpu.region"() ({
            %run_scoped3A = tpu.sem_alloc : memref<!tpu.dma_semaphore, #tpu.memory_space<semaphore_mem>>
            %dma_start3A_328 = arith.constant 0 : i32
            %dma_start3A_329 = tpu.memref_slice %arg6[%multiple_of3A_45, %dma_start3A_328] : memref<4096x1024xf32, #tpu.memory_space<hbm>> -> memref<8x1024xf32, #tpu.memory_space<hbm>>
            %dma_start3A_330 = arith.constant 0 : i32
            %dma_start3A_331 = tpu.memref_slice %arg6[%multiple_of3A_45, %dma_start3A_330] : memref<4096x1024xf32, #tpu.memory_space<hbm>> -> memref<8x1024xf32, #tpu.memory_space<hbm>>
            tpu.enqueue_dma source(%arg15 : memref<8x1024xf32, #tpu.memory_space<vmem>>) target(%dma_start3A_331 : memref<8x1024xf32, #tpu.memory_space<hbm>>) target_semaphore(%run_scoped3A : memref<!tpu.dma_semaphore, #tpu.memory_space<semaphore_mem>>)
            %dma_wait3A_332 = arith.constant 0 : i32
            %dma_wait3A_333 = tpu.memref_slice %arg6[%multiple_of3A_45, %dma_wait3A_332] : memref<4096x1024xf32, #tpu.memory_space<hbm>> -> memref<8x1024xf32, #tpu.memory_space<hbm>>
            %dma_wait3A_334 = arith.constant 0 : i32
            %dma_wait3A_335 = tpu.memref_slice %arg6[%multiple_of3A_45, %dma_wait3A_334] : memref<4096x1024xf32, #tpu.memory_space<hbm>> -> memref<8x1024xf32, #tpu.memory_space<hbm>>
            tpu.wait_dma2 semaphore(%run_scoped3A : memref<!tpu.dma_semaphore, #tpu.memory_space<semaphore_mem>>) src(%arg15 : memref<8x1024xf32, #tpu.memory_space<vmem>>) dst(%dma_wait3A_335 : memref<8x1024xf32, #tpu.memory_space<hbm>>)
            tpu.yield
          }) : () -> ()
          %add3A_325 = arith.constant 8 : i32
          %add3A_326 = arith.addi %multiple_of3A_45, %add3A_325 : i32
          %multiple_of3A_327 = tpu.assume_multiple %add3A_326, 8 : i32
          "tpu.region"() ({
            %run_scoped3A = tpu.sem_alloc : memref<!tpu.dma_semaphore, #tpu.memory_space<semaphore_mem>>
            %dma_start3A_328 = arith.constant 0 : i32
            %dma_start3A_329 = tpu.memref_slice %arg2[%multiple_of3A_327, %dma_start3A_328] : memref<4096x1024xf32, #tpu.memory_space<hbm>> -> memref<8x1024xf32, #tpu.memory_space<hbm>>
            %dma_start3A_330 = arith.constant 0 : i32
            %dma_start3A_331 = tpu.memref_slice %arg2[%multiple_of3A_327, %dma_start3A_330] : memref<4096x1024xf32, #tpu.memory_space<hbm>> -> memref<8x1024xf32, #tpu.memory_space<hbm>>
            tpu.enqueue_dma source(%dma_start3A_331 : memref<8x1024xf32, #tpu.memory_space<hbm>>) target(%arg8 : memref<8x1024xf32, #tpu.memory_space<vmem>>) target_semaphore(%run_scoped3A : memref<!tpu.dma_semaphore, #tpu.memory_space<semaphore_mem>>)
            %dma_wait3A_332 = arith.constant 0 : i32
            %dma_wait3A_333 = tpu.memref_slice %arg2[%multiple_of3A_327, %dma_wait3A_332] : memref<4096x1024xf32, #tpu.memory_space<hbm>> -> memref<8x1024xf32, #tpu.memory_space<hbm>>
            %dma_wait3A_334 = arith.constant 0 : i32
            %dma_wait3A_335 = tpu.memref_slice %arg2[%multiple_of3A_327, %dma_wait3A_334] : memref<4096x1024xf32, #tpu.memory_space<hbm>> -> memref<8x1024xf32, #tpu.memory_space<hbm>>
            tpu.wait_dma2 semaphore(%run_scoped3A : memref<!tpu.dma_semaphore, #tpu.memory_space<semaphore_mem>>) src(%dma_wait3A_335 : memref<8x1024xf32, #tpu.memory_space<hbm>>) dst(%arg8 : memref<8x1024xf32, #tpu.memory_space<vmem>>)
            tpu.yield
          }) : () -> ()
        } else {
        }
        %eq3A_320 = arith.constant 7 : i32
        %eq3A_321 = arith.cmpi eq, %scan3A_70, %eq3A_320 : i32
        %convert_element_type3A_322 = arith.extui %eq3A_321 : i1 to i32
        %cond3A_323 = arith.constant 0 : i32
        %cond3A_324 = arith.cmpi ne, %convert_element_type3A_322, %cond3A_323 : i32
        scf.if %cond3A_324 {
          %add3A_325 = arith.constant 8 : i32
          %add3A_326 = arith.addi %multiple_of3A_45, %add3A_325 : i32
          %multiple_of3A_327 = tpu.assume_multiple %add3A_326, 8 : i32
          "tpu.region"() ({
            %run_scoped3A = tpu.sem_alloc : memref<!tpu.dma_semaphore, #tpu.memory_space<semaphore_mem>>
            %dma_start3A_328 = arith.constant 0 : i32
            %dma_start3A_329 = tpu.memref_slice %arg6[%multiple_of3A_327, %dma_start3A_328] : memref<4096x1024xf32, #tpu.memory_space<hbm>> -> memref<8x1024xf32, #tpu.memory_space<hbm>>
            %dma_start3A_330 = arith.constant 0 : i32
            %dma_start3A_331 = tpu.memref_slice %arg6[%multiple_of3A_327, %dma_start3A_330] : memref<4096x1024xf32, #tpu.memory_space<hbm>> -> memref<8x1024xf32, #tpu.memory_space<hbm>>
            tpu.enqueue_dma source(%arg15 : memref<8x1024xf32, #tpu.memory_space<vmem>>) target(%dma_start3A_331 : memref<8x1024xf32, #tpu.memory_space<hbm>>) target_semaphore(%run_scoped3A : memref<!tpu.dma_semaphore, #tpu.memory_space<semaphore_mem>>)
            %dma_wait3A_332 = arith.constant 0 : i32
            %dma_wait3A_333 = tpu.memref_slice %arg6[%multiple_of3A_327, %dma_wait3A_332] : memref<4096x1024xf32, #tpu.memory_space<hbm>> -> memref<8x1024xf32, #tpu.memory_space<hbm>>
            %dma_wait3A_334 = arith.constant 0 : i32
            %dma_wait3A_335 = tpu.memref_slice %arg6[%multiple_of3A_327, %dma_wait3A_334] : memref<4096x1024xf32, #tpu.memory_space<hbm>> -> memref<8x1024xf32, #tpu.memory_space<hbm>>
            tpu.wait_dma2 semaphore(%run_scoped3A : memref<!tpu.dma_semaphore, #tpu.memory_space<semaphore_mem>>) src(%arg15 : memref<8x1024xf32, #tpu.memory_space<vmem>>) dst(%dma_wait3A_335 : memref<8x1024xf32, #tpu.memory_space<hbm>>)
            tpu.yield
          }) : () -> ()
        } else {
        }
      }
      %scan3A_69 = arith.constant 8 : i32
    }
    %scan3A_32 = arith.constant 8 : i32
    %dma_wait3A = arith.constant 63 : i32
    %dma_wait3A_33 = arith.constant 0 : i32
    %dma_wait3A_34 = tpu.memref_slice %arg7[%dma_wait3A, %dma_wait3A_33] : memref<64x16xi32, #tpu.memory_space<vmem>> -> memref<1x16xi32, #tpu.memory_space<vmem>>
    %dma_wait3A_35 = tpu.memref_squeeze %dma_wait3A_34 : memref<1x16xi32, #tpu.memory_space<vmem>> -> memref<16xi32, #tpu.memory_space<vmem>>
    %dma_wait3A_36 = arith.constant 0 : i32
    %dma_wait3A_37 = arith.constant 0 : i32
    %dma_wait3A_38 = tpu.memref_slice %arg3[%dma_wait3A_36, %dma_wait3A_37] : memref<4096x1024xf32, #tpu.memory_space<hbm>> -> memref<4096x1024xf32, #tpu.memory_space<hbm>>
    tpu.wait_indirect_dma semaphore(%arg16 : memref<!tpu.dma_semaphore, #tpu.memory_space<semaphore_mem>>) src(%dma_wait3A_38 : memref<4096x1024xf32, #tpu.memory_space<hbm>>) dst(%arg9 : memref<16x1024xf32, #tpu.memory_space<vmem>>)
    return
  }
}

module attributes {stable_mosaic.version = 14 : i64} {
  func.func @_proj_body(%arg0: i32, %arg1: memref<256x1024xf32, #tpu.memory_space<vmem>>, %arg2: memref<256x1024xf32, #tpu.memory_space<vmem>>, %arg3: memref<256x1024xf32, #tpu.memory_space<vmem>>, %arg4: memref<1024x1024xf32, #tpu.memory_space<vmem>>, %arg5: memref<1024x1024xf32, #tpu.memory_space<vmem>>, %arg6: memref<1024x1024xf32, #tpu.memory_space<vmem>>, %arg7: memref<256x1024xf32, #tpu.memory_space<vmem>>, %arg8: memref<256x1024xf32, #tpu.memory_space<vmem>>, %arg9: memref<256x1024xf32, #tpu.memory_space<vmem>>) attributes {dimension_semantics = [#tpu.dimension_semantics<arbitrary>], iteration_bounds = array<i64: 16>, scalar_prefetch = 0 : i64, scratch_operands = 0 : i64, tpu.core_type = #tpu.core_type<tc>, window_params = [{transform_indices = @transform_0, window_bounds = array<i64: 256, 1024>}, {transform_indices = @transform_1, window_bounds = array<i64: 256, 1024>}, {transform_indices = @transform_2, window_bounds = array<i64: 256, 1024>}, {pipeline_mode = #tpu.pipeline_mode<synchronous>, transform_indices = @transform_3, window_bounds = array<i64: 1024, 1024>}, {pipeline_mode = #tpu.pipeline_mode<synchronous>, transform_indices = @transform_4, window_bounds = array<i64: 1024, 1024>}, {pipeline_mode = #tpu.pipeline_mode<synchronous>, transform_indices = @transform_5, window_bounds = array<i64: 1024, 1024>}, {transform_indices = @transform_6, window_bounds = array<i64: 256, 1024>}, {transform_indices = @transform_7, window_bounds = array<i64: 256, 1024>}, {transform_indices = @transform_8, window_bounds = array<i64: 256, 1024>}]} {
    %get3A = arith.constant 0 : index
    %get3A_0 = arith.constant 0 : index
    %get3A_1 = vector.load %arg1[%get3A, %get3A_0] : memref<256x1024xf32, #tpu.memory_space<vmem>>, vector<256x1024xf32>
    %get3A_2 = arith.constant 0 : index
    %get3A_3 = arith.constant 0 : index
    %get3A_4 = vector.load %arg4[%get3A_2, %get3A_3] : memref<1024x1024xf32, #tpu.memory_space<vmem>>, vector<1024x1024xf32>
    %dot_general3A = arith.constant dense<0.000000e+00> : vector<256x1024xf32>
    %dot_general3A_5 = tpu.matmul %get3A_1, %get3A_4, %dot_general3A {dimension_numbers = #tpu.dot_dimension_numbers<[1], [0], [0], [1], [0, 0, 1, 1], [], []>, transpose_lhs_hint = false} : vector<256x1024xf32>, vector<1024x1024xf32>, vector<256x1024xf32> -> vector<256x1024xf32>
    %swap3A = arith.constant 0 : index
    %swap3A_6 = arith.constant 0 : index
    %swap3A_7 = vector.load %arg7[%swap3A, %swap3A_6] : memref<256x1024xf32, #tpu.memory_space<vmem>>, vector<256x1024xf32>
    tpu.vector_store %arg7[%swap3A, %swap3A_6], %dot_general3A_5 {strides = array<i32>} : memref<256x1024xf32, #tpu.memory_space<vmem>>, vector<256x1024xf32>,
    %get3A_8 = arith.constant 0 : index
    %get3A_9 = arith.constant 0 : index
    %get3A_10 = vector.load %arg2[%get3A_8, %get3A_9] : memref<256x1024xf32, #tpu.memory_space<vmem>>, vector<256x1024xf32>
    %get3A_11 = arith.constant 0 : index
    %get3A_12 = arith.constant 0 : index
    %get3A_13 = vector.load %arg5[%get3A_11, %get3A_12] : memref<1024x1024xf32, #tpu.memory_space<vmem>>, vector<1024x1024xf32>
    %dot_general3A_14 = arith.constant dense<0.000000e+00> : vector<256x1024xf32>
    %dot_general3A_15 = tpu.matmul %get3A_10, %get3A_13, %dot_general3A_14 {dimension_numbers = #tpu.dot_dimension_numbers<[1], [0], [0], [1], [0, 0, 1, 1], [], []>, transpose_lhs_hint = false} : vector<256x1024xf32>, vector<1024x1024xf32>, vector<256x1024xf32> -> vector<256x1024xf32>
    %swap3A_16 = arith.constant 0 : index
    %swap3A_17 = arith.constant 0 : index
    %swap3A_18 = vector.load %arg8[%swap3A_16, %swap3A_17] : memref<256x1024xf32, #tpu.memory_space<vmem>>, vector<256x1024xf32>
    tpu.vector_store %arg8[%swap3A_16, %swap3A_17], %dot_general3A_15 {strides = array<i32>} : memref<256x1024xf32, #tpu.memory_space<vmem>>, vector<256x1024xf32>,
    %get3A_19 = arith.constant 0 : index
    %get3A_20 = arith.constant 0 : index
    %get3A_21 = vector.load %arg3[%get3A_19, %get3A_20] : memref<256x1024xf32, #tpu.memory_space<vmem>>, vector<256x1024xf32>
    %get3A_22 = arith.constant 0 : index
    %get3A_23 = arith.constant 0 : index
    %get3A_24 = vector.load %arg6[%get3A_22, %get3A_23] : memref<1024x1024xf32, #tpu.memory_space<vmem>>, vector<1024x1024xf32>
    %dot_general3A_25 = arith.constant dense<0.000000e+00> : vector<256x1024xf32>
    %dot_general3A_26 = tpu.matmul %get3A_21, %get3A_24, %dot_general3A_25 {dimension_numbers = #tpu.dot_dimension_numbers<[1], [0], [0], [1], [0, 0, 1, 1], [], []>, transpose_lhs_hint = false} : vector<256x1024xf32>, vector<1024x1024xf32>, vector<256x1024xf32> -> vector<256x1024xf32>
    %swap3A_27 = arith.constant 0 : index
    %swap3A_28 = arith.constant 0 : index
    %swap3A_29 = vector.load %arg9[%swap3A_27, %swap3A_28] : memref<256x1024xf32, #tpu.memory_space<vmem>>, vector<256x1024xf32>
    tpu.vector_store %arg9[%swap3A_27, %swap3A_28], %dot_general3A_26 {strides = array<i32>} : memref<256x1024xf32, #tpu.memory_space<vmem>>, vector<256x1024xf32>,
    return
  }
  func.func @transform_0(%arg0: i32) -> (i32, i32) {
    %c0_i32 = arith.constant 0 : i32
    %c0_i32_0 = arith.constant 0 : i32
    return %arg0, %c0_i32 : i32, i32
  }
  func.func @transform_1(%arg0: i32) -> (i32, i32) {
    %c0_i32 = arith.constant 0 : i32
    %c0_i32_0 = arith.constant 0 : i32
    return %arg0, %c0_i32 : i32, i32
  }
  func.func @transform_2(%arg0: i32) -> (i32, i32) {
    %c0_i32 = arith.constant 0 : i32
    %c0_i32_0 = arith.constant 0 : i32
    return %arg0, %c0_i32 : i32, i32
  }
  func.func @transform_3(%arg0: i32) -> (i32, i32) {
    %c0_i32 = arith.constant 0 : i32
    %c0_i32_0 = arith.constant 0 : i32
    %c0_i32_1 = arith.constant 0 : i32
    return %c0_i32, %c0_i32_0 : i32, i32
  }
  func.func @transform_4(%arg0: i32) -> (i32, i32) {
    %c0_i32 = arith.constant 0 : i32
    %c0_i32_0 = arith.constant 0 : i32
    %c0_i32_1 = arith.constant 0 : i32
    return %c0_i32, %c0_i32_0 : i32, i32
  }
  func.func @transform_5(%arg0: i32) -> (i32, i32) {
    %c0_i32 = arith.constant 0 : i32
    %c0_i32_0 = arith.constant 0 : i32
    %c0_i32_1 = arith.constant 0 : i32
    return %c0_i32, %c0_i32_0 : i32, i32
  }
  func.func @transform_6(%arg0: i32) -> (i32, i32) {
    %c0_i32 = arith.constant 0 : i32
    %c0_i32_0 = arith.constant 0 : i32
    return %arg0, %c0_i32 : i32, i32
  }
  func.func @transform_7(%arg0: i32) -> (i32, i32) {
    %c0_i32 = arith.constant 0 : i32
    %c0_i32_0 = arith.constant 0 : i32
    return %arg0, %c0_i32 : i32, i32
  }
  func.func @transform_8(%arg0: i32) -> (i32, i32) {
    %c0_i32 = arith.constant 0 : i32
    %c0_i32_0 = arith.constant 0 : i32
    return %arg0, %c0_i32 : i32, i32
  }
}

module attributes {stable_mosaic.version = 14 : i64} {
  func.func @_global_body(%arg0: i32, %arg1: memref<1x2048x1024xf32, #tpu.memory_space<vmem>>, %arg2: memref<1x2048x1024xf32, #tpu.memory_space<vmem>>, %arg3: memref<1x1x1024xf32, #tpu.memory_space<vmem>>, %arg4: memref<1024x16xf32, #tpu.memory_space<vmem>>, %arg5: memref<16x1024xf32, #tpu.memory_space<vmem>>, %arg6: memref<1x1x1024xf32, #tpu.memory_space<vmem>>) attributes {dimension_semantics = [#tpu.dimension_semantics<arbitrary>], iteration_bounds = array<i64: 4>, scalar_prefetch = 0 : i64, scratch_operands = 0 : i64, tpu.core_type = #tpu.core_type<tc>, window_params = [{transform_indices = @transform_0, window_bounds = array<i64: 1, 2048, 1024>}, {transform_indices = @transform_1, window_bounds = array<i64: 1, 2048, 1024>}, {transform_indices = @transform_2, window_bounds = array<i64: 1, 1, 1024>}, {pipeline_mode = #tpu.pipeline_mode<synchronous>, transform_indices = @transform_3, window_bounds = array<i64: 1024, 16>}, {pipeline_mode = #tpu.pipeline_mode<synchronous>, transform_indices = @transform_4, window_bounds = array<i64: 16, 1024>}, {transform_indices = @transform_5, window_bounds = array<i64: 1, 1, 1024>}]} {
    %get3A = arith.constant 0 : index
    %get3A_0 = arith.constant 0 : index
    %get3A_1 = arith.constant 0 : index
    %get3A_2 = vector.load %arg3[%get3A, %get3A_0, %get3A_1] : memref<1x1x1024xf32, #tpu.memory_space<vmem>>, vector<1x1x1024xf32>
    %get3A_3 = vector.shape_cast %get3A_2 : vector<1x1x1024xf32> to vector<1x1024xf32>
    %get3A_4 = arith.constant 0 : index
    %get3A_5 = arith.constant 0 : index
    %get3A_6 = arith.constant 0 : index
    %get3A_7 = vector.load %arg1[%get3A_4, %get3A_5, %get3A_6] : memref<1x2048x1024xf32, #tpu.memory_space<vmem>>, vector<1x2048x1024xf32>
    %get3A_8 = vector.shape_cast %get3A_7 : vector<1x2048x1024xf32> to vector<2048x1024xf32>
    %mul3A = vector.broadcast %get3A_3 : vector<1x1024xf32> to vector<2048x1024xf32>
    %mul3A_9 = arith.mulf %get3A_8, %mul3A : vector<2048x1024xf32>
    %get3A_10 = arith.constant 0 : index
    %get3A_11 = arith.constant 0 : index
    %get3A_12 = vector.load %arg4[%get3A_10, %get3A_11] : memref<1024x16xf32, #tpu.memory_space<vmem>>, vector<1024x16xf32>
    %dot_general3A = arith.constant dense<0.000000e+00> : vector<2048x16xf32>
    %dot_general3A_13 = tpu.matmul %mul3A_9, %get3A_12, %dot_general3A {dimension_numbers = #tpu.dot_dimension_numbers<[1], [0], [0], [1], [0, 0, 1, 1], [], []>, transpose_lhs_hint = false} : vector<2048x1024xf32>, vector<1024x16xf32>, vector<2048x16xf32> -> vector<2048x16xf32>
    %reduce_max3A = arith.constant dense<0xFF800000> : vector<16xf32>
    %reduce_max3A_14 = vector.multi_reduction <maximumf>, %dot_general3A_13, %reduce_max3A [0] : vector<2048x16xf32> to vector<16xf32>
    %broadcast_in_dim3A = vector.shape_cast %reduce_max3A_14 : vector<16xf32> to vector<1x16xf32>
    %sub3A = vector.broadcast %broadcast_in_dim3A : vector<1x16xf32> to vector<2048x16xf32>
    %sub3A_15 = arith.subf %dot_general3A_13, %sub3A : vector<2048x16xf32>
    %exp3A = math.exp %sub3A_15 : vector<2048x16xf32>
    %reduce_sum3A = arith.constant dense<0.000000e+00> : vector<16xf32>
    %reduce_sum3A_16 = vector.multi_reduction <add>, %exp3A, %reduce_sum3A [0] : vector<2048x16xf32> to vector<16xf32>
    %broadcast_in_dim3A_17 = vector.shape_cast %reduce_sum3A_16 : vector<16xf32> to vector<1x16xf32>
    %div3A = vector.broadcast %broadcast_in_dim3A_17 : vector<1x16xf32> to vector<2048x16xf32>
    %div3A_18 = arith.divf %exp3A, %div3A : vector<2048x16xf32>
    %get3A_19 = arith.constant 0 : index
    %get3A_20 = arith.constant 0 : index
    %get3A_21 = vector.load %arg5[%get3A_19, %get3A_20] : memref<16x1024xf32, #tpu.memory_space<vmem>>, vector<16x1024xf32>
    %dot_general3A_22 = arith.constant dense<0.000000e+00> : vector<2048x1024xf32>
    %dot_general3A_23 = tpu.matmul %div3A_18, %get3A_21, %dot_general3A_22 {dimension_numbers = #tpu.dot_dimension_numbers<[1], [0], [0], [1], [0, 0, 1, 1], [], []>, transpose_lhs_hint = false} : vector<2048x16xf32>, vector<16x1024xf32>, vector<2048x1024xf32> -> vector<2048x1024xf32>
    %get3A_24 = arith.constant 0 : index
    %get3A_25 = arith.constant 0 : index
    %get3A_26 = arith.constant 0 : index
    %get3A_27 = vector.load %arg2[%get3A_24, %get3A_25, %get3A_26] : memref<1x2048x1024xf32, #tpu.memory_space<vmem>>, vector<1x2048x1024xf32>
    %get3A_28 = vector.shape_cast %get3A_27 : vector<1x2048x1024xf32> to vector<2048x1024xf32>
    %mul3A_29 = arith.mulf %dot_general3A_23, %get3A_28 : vector<2048x1024xf32>
    %reduce_sum3A_30 = arith.constant dense<0.000000e+00> : vector<1024xf32>
    %reduce_sum3A_31 = vector.multi_reduction <add>, %mul3A_29, %reduce_sum3A_30 [0] : vector<2048x1024xf32> to vector<1024xf32>
    %swap3A = arith.constant 0 : index
    %swap3A_32 = arith.constant 0 : index
    %swap3A_33 = arith.constant 0 : index
    %swap3A_34 = vector.load %arg6[%swap3A, %swap3A_32, %swap3A_33] : memref<1x1x1024xf32, #tpu.memory_space<vmem>>, vector<1x1x1024xf32>
    %swap3A_35 = vector.shape_cast %swap3A_34 : vector<1x1x1024xf32> to vector<1024xf32>
    %swap3A_36 = vector.shape_cast %reduce_sum3A_31 : vector<1024xf32> to vector<1x1x1024xf32>
    tpu.vector_store %arg6[%swap3A, %swap3A_32, %swap3A_33], %swap3A_36 {strides = array<i32>} : memref<1x1x1024xf32, #tpu.memory_space<vmem>>, vector<1x1x1024xf32>,
    return
  }
  func.func @transform_0(%arg0: i32) -> (i32, i32, i32) {
    %jit3A = arith.constant 2 : i32
    %div3A = arith.divsi %arg0, %jit3A : i32
    %sign3A = arith.constant 0 : i32
    %sign3A_0 = arith.cmpi sgt, %arg0, %sign3A : i32
    %sign3A_1 = arith.extui %sign3A_0 : i1 to i32
    %sign3A_2 = arith.constant 0 : i32
    %sign3A_3 = arith.cmpi slt, %arg0, %sign3A_2 : i32
    %sign3A_4 = arith.extui %sign3A_3 : i1 to i32
    %sign3A_5 = arith.subi %sign3A_1, %sign3A_4 : i32
    %sign3A_6 = arith.constant 0 : i32
    %sign3A_7 = arith.cmpi sgt, %jit3A, %sign3A_6 : i32
    %sign3A_8 = arith.extui %sign3A_7 : i1 to i32
    %sign3A_9 = arith.constant 0 : i32
    %sign3A_10 = arith.cmpi slt, %jit3A, %sign3A_9 : i32
    %sign3A_11 = arith.extui %sign3A_10 : i1 to i32
    %sign3A_12 = arith.subi %sign3A_8, %sign3A_11 : i32
    %ne3A = arith.cmpi ne, %sign3A_5, %sign3A_12 : i32
    %rem3A = arith.remsi %arg0, %jit3A : i32
    %ne3A_13 = arith.constant 0 : i32
    %ne3A_14 = arith.cmpi ne, %rem3A, %ne3A_13 : i32
    %and3A = arith.andi %ne3A, %ne3A_14 : i1
    %sub3A = arith.constant 1 : i32
    %sub3A_15 = arith.subi %div3A, %sub3A : i32
    %select_n3A = arith.select %and3A, %sub3A_15, %div3A : i32
    %c0_i32 = arith.constant 0 : i32
    %c0_i32_16 = arith.constant 0 : i32
    %c0_i32_17 = arith.constant 0 : i32
    return %select_n3A, %c0_i32, %c0_i32_16 : i32, i32, i32
  }
  func.func @transform_1(%arg0: i32) -> (i32, i32, i32) {
    %jit3A = arith.constant 2 : i32
    %div3A = arith.divsi %arg0, %jit3A : i32
    %sign3A = arith.constant 0 : i32
    %sign3A_0 = arith.cmpi sgt, %arg0, %sign3A : i32
    %sign3A_1 = arith.extui %sign3A_0 : i1 to i32
    %sign3A_2 = arith.constant 0 : i32
    %sign3A_3 = arith.cmpi slt, %arg0, %sign3A_2 : i32
    %sign3A_4 = arith.extui %sign3A_3 : i1 to i32
    %sign3A_5 = arith.subi %sign3A_1, %sign3A_4 : i32
    %sign3A_6 = arith.constant 0 : i32
    %sign3A_7 = arith.cmpi sgt, %jit3A, %sign3A_6 : i32
    %sign3A_8 = arith.extui %sign3A_7 : i1 to i32
    %sign3A_9 = arith.constant 0 : i32
    %sign3A_10 = arith.cmpi slt, %jit3A, %sign3A_9 : i32
    %sign3A_11 = arith.extui %sign3A_10 : i1 to i32
    %sign3A_12 = arith.subi %sign3A_8, %sign3A_11 : i32
    %ne3A = arith.cmpi ne, %sign3A_5, %sign3A_12 : i32
    %rem3A = arith.remsi %arg0, %jit3A : i32
    %ne3A_13 = arith.constant 0 : i32
    %ne3A_14 = arith.cmpi ne, %rem3A, %ne3A_13 : i32
    %and3A = arith.andi %ne3A, %ne3A_14 : i1
    %sub3A = arith.constant 1 : i32
    %sub3A_15 = arith.subi %div3A, %sub3A : i32
    %select_n3A = arith.select %and3A, %sub3A_15, %div3A : i32
    %c0_i32 = arith.constant 0 : i32
    %c0_i32_16 = arith.constant 0 : i32
    %c0_i32_17 = arith.constant 0 : i32
    return %select_n3A, %c0_i32, %c0_i32_16 : i32, i32, i32
  }
  func.func @transform_2(%arg0: i32) -> (i32, i32, i32) {
    %c0_i32 = arith.constant 0 : i32
    %c0_i32_0 = arith.constant 0 : i32
    %c0_i32_1 = arith.constant 0 : i32
    return %arg0, %c0_i32, %c0_i32_0 : i32, i32, i32
  }
  func.func @transform_3(%arg0: i32) -> (i32, i32) {
    %c0_i32 = arith.constant 0 : i32
    %c0_i32_0 = arith.constant 0 : i32
    %c0_i32_1 = arith.constant 0 : i32
    return %c0_i32, %c0_i32_0 : i32, i32
  }
  func.func @transform_4(%arg0: i32) -> (i32, i32) {
    %c0_i32 = arith.constant 0 : i32
    %c0_i32_0 = arith.constant 0 : i32
    %c0_i32_1 = arith.constant 0 : i32
    return %c0_i32, %c0_i32_0 : i32, i32
  }
  func.func @transform_5(%arg0: i32) -> (i32, i32, i32) {
    %c0_i32 = arith.constant 0 : i32
    %c0_i32_0 = arith.constant 0 : i32
    %c0_i32_1 = arith.constant 0 : i32
    return %arg0, %c0_i32, %c0_i32_0 : i32, i32, i32
  }
}

module attributes {stable_mosaic.version = 14 : i64} {
  func.func @_out_body(%arg0: i32, %arg1: memref<256x1024xf32, #tpu.memory_space<vmem>>, %arg2: memref<1x1x1024xf32, #tpu.memory_space<vmem>>, %arg3: memref<16xi32, #tpu.memory_space<smem>>, %arg4: memref<1024x1024xf32, #tpu.memory_space<vmem>>, %arg5: memref<256x1024xf32, #tpu.memory_space<vmem>>) attributes {dimension_semantics = [#tpu.dimension_semantics<arbitrary>], iteration_bounds = array<i64: 16>, scalar_prefetch = 0 : i64, scratch_operands = 0 : i64, tpu.core_type = #tpu.core_type<tc>, window_params = [{transform_indices = @transform_0, window_bounds = array<i64: 256, 1024>}, {transform_indices = @transform_1, window_bounds = array<i64: 1, 1, 1024>}, {transform_indices = @transform_2, window_bounds = array<i64: 16>}, {pipeline_mode = #tpu.pipeline_mode<synchronous>, transform_indices = @transform_3, window_bounds = array<i64: 1024, 1024>}, {transform_indices = @transform_4, window_bounds = array<i64: 256, 1024>}]} {
    %get3A = arith.constant 0 : index
    %get3A_0 = arith.constant 0 : index
    %get3A_1 = vector.load %arg1[%get3A, %get3A_0] : memref<256x1024xf32, #tpu.memory_space<vmem>>, vector<256x1024xf32>
    %get3A_2 = arith.index_cast %arg0 : i32 to index
    %get3A_3 = memref.load %arg3[%get3A_2] : memref<16xi32, #tpu.memory_space<smem>>
    %iota3A = tpu.iota {dimensions = array<i32: 0>} : vector<256x1024xi32>
    %eq3A = vector.broadcast %get3A_3 : i32 to vector<256x1024xi32>
    %eq3A_4 = arith.cmpi eq, %iota3A, %eq3A : vector<256x1024xi32>
    %get3A_5 = arith.constant 0 : index
    %get3A_6 = arith.constant 0 : index
    %get3A_7 = arith.constant 0 : index
    %get3A_8 = vector.load %arg2[%get3A_5, %get3A_6, %get3A_7] : memref<1x1x1024xf32, #tpu.memory_space<vmem>>, vector<1x1x1024xf32>
    %get3A_9 = vector.shape_cast %get3A_8 : vector<1x1x1024xf32> to vector<1x1024xf32>
    %broadcast_in_dim3A = vector.shape_cast %get3A_9 : vector<1x1024xf32> to vector<1x1024xf32>
    %broadcast_in_dim3A_10 = vector.broadcast %broadcast_in_dim3A : vector<1x1024xf32> to vector<256x1024xf32>
    %select_n3A = arith.select %eq3A_4, %broadcast_in_dim3A_10, %get3A_1 : vector<256x1024xi1>, vector<256x1024xf32>
    %get3A_11 = arith.constant 0 : index
    %get3A_12 = arith.constant 0 : index
    %get3A_13 = vector.load %arg4[%get3A_11, %get3A_12] : memref<1024x1024xf32, #tpu.memory_space<vmem>>, vector<1024x1024xf32>
    %dot_general3A = arith.constant dense<0.000000e+00> : vector<256x1024xf32>
    %dot_general3A_14 = tpu.matmul %select_n3A, %get3A_13, %dot_general3A {dimension_numbers = #tpu.dot_dimension_numbers<[1], [0], [0], [1], [0, 0, 1, 1], [], []>, transpose_lhs_hint = false} : vector<256x1024xf32>, vector<1024x1024xf32>, vector<256x1024xf32> -> vector<256x1024xf32>
    %swap3A = arith.constant 0 : index
    %swap3A_15 = arith.constant 0 : index
    %swap3A_16 = vector.load %arg5[%swap3A, %swap3A_15] : memref<256x1024xf32, #tpu.memory_space<vmem>>, vector<256x1024xf32>
    tpu.vector_store %arg5[%swap3A, %swap3A_15], %dot_general3A_14 {strides = array<i32>} : memref<256x1024xf32, #tpu.memory_space<vmem>>, vector<256x1024xf32>,
    return
  }
  func.func @transform_0(%arg0: i32) -> (i32, i32) {
    %c0_i32 = arith.constant 0 : i32
    %c0_i32_0 = arith.constant 0 : i32
    return %arg0, %c0_i32 : i32, i32
  }
  func.func @transform_1(%arg0: i32) -> (i32, i32, i32) {
    %c0_i32 = arith.constant 0 : i32
    %c0_i32_0 = arith.constant 0 : i32
    %c0_i32_1 = arith.constant 0 : i32
    return %arg0, %c0_i32, %c0_i32_0 : i32, i32, i32
  }
  func.func @transform_2(%arg0: i32) -> i32 {
    %c0_i32 = arith.constant 0 : i32
    %c0_i32_0 = arith.constant 0 : i32
    return %c0_i32 : i32
  }
  func.func @transform_3(%arg0: i32) -> (i32, i32) {
    %c0_i32 = arith.constant 0 : i32
    %c0_i32_0 = arith.constant 0 : i32
    %c0_i32_1 = arith.constant 0 : i32
    return %c0_i32, %c0_i32_0 : i32, i32
  }
  func.func @transform_4(%arg0: i32) -> (i32, i32) {
    %c0_i32 = arith.constant 0 : i32
    %c0_i32_0 = arith.constant 0 : i32
    return %arg0, %c0_i32 : i32, i32
  }
}

</mosaic_0001>

<sc_bundles>
// kernel: kernel.6.cloned.1.call-start
scs
__scs_entry_jumppad:
0x0: {  	(pc) =	sbr.rel $0x88, $3  }
0x1: {  	(tag) =	ssettag $0x0;
	lr =	simm.s32 $0x1  }
0x2: {  	[smem:$0x3F99] =	sst lr;
	_ =	strace $0xD0000000  }
0x3: {  	_ = 	snop  }
0x4: {  	_ = 	snop  }
0x5: {  	_ = 	snop  }
0x6: {  	_ = 	snop  }
0x7: {  	_ = 	snop  }
__scs_overlays_trampoline_lowered:
0x8: {  	[smem:$0x3FA8] =	sst s0  }
0x9: {  	[smem:$0x3FA9] =	sst s1  }
0xa: {  	[smem:$0x3FAA] =	sst s2  }
0xb: {  	[smem:$0x3FAB] =	sst s3  }
0xc: {  	[smem:$0x3FAC] =	sst s4  }
0xd: {  	[smem:$0x3FAD] =	sst s5  }
0xe: {  	[smem:$0x3FAE] =	sst s6  }
0xf: {  	[smem:$0x3FAF] =	sst s7  }
0x10: {  	[smem:$0x3FB0] =	sst s8  }
0x11: {  	[smem:$0x3FB1] =	sst s9;
	s0 =	simm.s32 @!p0 $0x0  }
0x12: {  	s1 =	sld [smem:$0x3F97];
	s0 =	simm.s32 @p0 $0x1  }
0x13: {  	[smem:$0x3FB2] =	sst s0;
	s0 =	simm.s32 @!p1 $0x0  }
0x14: {  	s2 =	sld [smem:$0x3F96];
	s0 =	simm.s32 @p1 $0x1  }
0x15: {  	[smem:$0x3FB3] =	sst s0;
	s0 =	simm.s32 @!p2 $0x0  }
0x16: {  	s3 =	sld [smem:$0x3FDB];
	s0 =	simm.s32 @p2 $0x1  }
0x17: {  	s4 =	simm.s32 $0x1BF5;
	[smem:$0x3FB5] =	sst s0  }
0x18: {  	s0 =	sld [smem:$0x3F98];
	_ =	swait.ge [sflag:s4], $0x0  }
0x19: {  	s7 =	sld [smem:$0x3F99]  }
0x1a: {  	s8 =	sadd.s32 $0xFFFFE003, lr  }
0x1b: {  	s9 =	sadd.s32 $0xFFFFFEF7, lr;
	s5 =	simm.s32 $0xFFFFFFFF;
	p2 =	slt.u32 s8, $0xFFFFF086  }
0x1c: {  	p1 =	slt.u32 s9, $0xF7A;
	s5 =	simm.s32 @!p2 $0x0  }
0x1d: {  	s5 =	simm.s32 @p1 $0x1;
	p0 =	seq.s32 s7, s2  }
0x1e: {  	s7 =	smul.u32 @!p0 $0xF7A, s2;
	p2 =	seq.s32 @!p0 s5, $0x0  }
0x1f: {  	s9 =	smul.u32 $0xF7A, s1;
	s8 =	simm.s32 @!p0 $0x1BF5;
	p2 =	por !p2, p0  }
0x20: {  	[sflag:s8] =	ssyncset.s32 @!p0 $0xFFFFF086;
	s6 =	sadd.s32 @!p0 s3, s7;
	s7 =	simm.s32 @!p0 $0x108  }
0x21: {  	s3 =	sadd.s32 s3, s9;
	s6 =	sadd.s32 @!p0 $0x88, s6;
	s7 =	simm.s32 @p2 $0x1082  }
0x22: {  	[simem:s7], [sflag:s8] =	dma.local @!p0 [hbm:s6], $0xF7A  }
0x23: {  	s9 =	sor.u32 $0xD0000000, s2;
	s6 =	simm.s32 $0x108;
	_ =	swait.ge @!p0 [sflag:s8], $0x0  }
0x24: {  	s3 =	sadd.s32 $0x88, s3;
	s6 =	simm.s32 @!p1 $0x1082;
	[sflag:s4] =	ssyncset.s32 $0xFFFFF086  }
0x25: {  	[simem:s6], [sflag:s4] =	dma.local [hbm:s3], $0xF7A  }
0x26: {  	[smem:$0x3F99] =	sst s1;
	(tag) =	ssettag s2;
	_ =	strace s9  }
0x27: {  	s1 =	sld [smem:$0x3FA9]  }
0x28: {  	s2 =	sld [smem:$0x3FAA]  }
0x29: {  	s4 =	sld [smem:$0x3FAC]  }
0x2a: {  	p0 =	seq.s32 s5, $0x0;
	s5 =	sld [smem:$0x3FAD]  }
0x2b: {  	s6 =	sld [smem:$0x3FAE]  }
0x2c: {  	s7 =	sld [smem:$0x3FAF]  }
0x2d: {  	s3 =	simm.s32 $0x108;
	s8 =	sld [smem:$0x3FB0]  }
0x2e: {  	s3 =	simm.s32 @!p0 $0x1082;
	s9 =	sld [smem:$0x3FB1]  }
0x2f: {  	lr =	sadd.s32 s0, s3;
	s0 =	sld [smem:$0x3FA8]  }
0x30: {  	s3 =	sld [smem:$0x3FAB]  }
0x31: {  	[smem:$0x3FB4] =	sst s10  }
0x32: {  	s10 =	sld [smem:$0x3FB2];
	_ =	sdelay $0x3  }
0x33: {  	p0 =	seq.s32 s10, $0x1;
	s10 =	sld [smem:$0x3FB4];
	_ =	sdelay $0x3  }
0x34: {  	[smem:$0x3FB4] =	sst s10  }
0x35: {  	s10 =	sld [smem:$0x3FB3];
	_ =	sdelay $0x3  }
0x36: {  	p1 =	seq.s32 s10, $0x1;
	s10 =	sld [smem:$0x3FB4];
	_ =	sdelay $0x3  }
0x37: {  	[smem:$0x3FB4] =	sst s10  }
0x38: {  	s10 =	sld [smem:$0x3FB5]  }
0x39: {  	_ = 	snop;
	(pc) =	sbr.ind lr, $3  }
0x3a: {  	_ = 	snop  }
0x3b: {  	_ = 	snop  }
0x3c: {  	p2 =	seq.s32 s10, $0x1;
	s10 =	sld [smem:$0x3FB4]  }
0x3d: {  	_ =	shalt  }
0x3e: {  	_ =	shalt  }
0x3f: {  	_ =	shalt  }
0x40: {  	_ =	shalt  }
0x41: {  	_ =	shalt  }
0x42: {  	_ =	shalt  }
0x43: {  	_ =	shalt  }
0x44: {  	_ =	shalt  }
0x45: {  	_ =	shalt  }
0x46: {  	_ =	shalt  }
0x47: {  	_ =	shalt  }
0x48: {  	_ =	shalt  }
0x49: {  	_ =	shalt  }
0x4a: {  	_ =	shalt  }
0x4b: {  	_ =	shalt  }
0x4c: {  	_ =	shalt  }
0x4d: {  	_ =	shalt  }
0x4e: {  	_ =	shalt  }
0x4f: {  	_ =	shalt  }
0x50: {  	_ =	shalt  }
0x51: {  	_ =	shalt  }
0x52: {  	_ =	shalt  }
0x53: {  	_ =	shalt  }
0x54: {  	_ =	shalt  }
0x55: {  	_ =	shalt  }
0x56: {  	_ =	shalt  }
0x57: {  	_ =	shalt  }
0x58: {  	_ =	shalt  }
0x59: {  	_ =	shalt  }
0x5a: {  	_ =	shalt  }
0x5b: {  	_ =	shalt  }
0x5c: {  	_ =	shalt  }
0x5d: {  	_ =	shalt  }
0x5e: {  	_ =	shalt  }
0x5f: {  	_ =	shalt  }
0x60: {  	_ =	shalt  }
0x61: {  	_ =	shalt  }
0x62: {  	_ =	shalt  }
0x63: {  	_ =	shalt  }
0x64: {  	_ =	shalt  }
0x65: {  	_ =	shalt  }
0x66: {  	_ =	shalt  }
0x67: {  	_ =	shalt  }
0x68: {  	_ =	shalt  }
0x69: {  	_ =	shalt  }
0x6a: {  	_ =	shalt  }
0x6b: {  	_ =	shalt  }
0x6c: {  	_ =	shalt  }
0x6d: {  	_ =	shalt  }
0x6e: {  	_ =	shalt  }
0x6f: {  	_ =	shalt  }
0x70: {  	_ =	shalt  }
0x71: {  	_ =	shalt  }
0x72: {  	_ =	shalt  }
0x73: {  	_ =	shalt  }
0x74: {  	_ =	shalt  }
0x75: {  	_ =	shalt  }
0x76: {  	_ =	shalt  }
0x77: {  	_ =	shalt  }
0x78: {  	_ =	shalt  }
0x79: {  	_ =	shalt  }
0x7a: {  	_ =	shalt  }
0x7b: {  	_ =	shalt  }
0x7c: {  	_ =	shalt  }
0x7d: {  	_ =	shalt  }
0x7e: {  	_ =	shalt  }
0x7f: {  	_ =	shalt  }
0x80: {  	_ =	shalt  }
0x81: {  	_ =	shalt  }
0x82: {  	_ =	shalt  }
0x83: {  	_ =	shalt  }
0x84: {  	_ =	shalt  }
0x85: {  	_ =	shalt  }
0x86: {  	_ =	shalt  }
0x87: {  	_ =	shalt  }
.Lfunc_end0:
.L_simem_size_0:
called_computation_lowered:
.L_overlay_start_0:
0x88: {  	s2 =	sld [smem:$0x3FD9]  }
0x89: {  	s3 =	sld [smem:$0x3FFE];
	_ =	sdelay $0x1  }
0x8a: {  	s1 =	srdreg.scid  }
0x8b: {  	s0 =	sand.u32 $0x1, s1  }
0x8c: {  	s17 =	sshll.u32 s0, $0xA;
	s2 =	sadd.s32 s3, s2  }
0x8d: {  	s2 =	sadd.s32 s2, s17  }
0x8e: {  	[smem:$0x3FC0] =	sst s2  }
0x8f: {  	_ = 	snop  }
0x90: {  	s2 =	sld [smem:$0x3FD0];
	(tm) =	ssettm $0x1  }
0x91: {  	s18 =	sld [smem:$0x3FFB];
	_ =	sdelay $0x3  }
0x92: {  	_ =	strace s18  }
0x93: {  	s3 =	sld [smem:$0x3FFC];
	_ =	sdelay $0x3  }
0x94: {  	_ =	strace s3  }
0x95: {  	s3 =	sld [smem:$0x3FFD];
	_ =	sdelay $0x3  }
0x96: {  	_ =	strace s3  }
0x97: {  	_ =	strace $0x8FFFFFFF  }
0x98: {  	s19 =	sld [smem:$0x3FDB];
	_ =	sdelay $0x1  }
0x99: {  	s4 =	simm.s32 $_scs_section_size  }
0x9a: {  	s5 =	simm.s32 $_size__tile_overlayer_lowered;
	s6 =	simm.s32 $_tile_overlayer_lowered  }
0x9b: {  	s22 =	simm.s32 $0x1BFF;
	s21 =	sshll.u32 s6, $0x1;
	s3 =	sadd.s32 s4, s19  }
0x9c: {  	s7 =	simm.s32 $0x0;
	s20 =	sshll.u32 s5, $0x1;
	s5 =	sadd.s32 s21, s3  }
0x9d: {  	[timem:s7], [sflag:s22] =	dma.local [hbm:s5], s20  }
0x9e: {  	_ =	swait.ge [sflag:s22], s20  }
0x9f: {  	s4 =	ssub.s32 $0x0, s20;
	[sflag:s22] =	ssyncset.done $0x0  }
0xa0: {  	[sflag:s22] =	ssyncadd.s32 s4;
	_ =	sdelay $0x1  }
0xa1: {  	s23 =	simm.s32 $0x1B8B  }
0xa2: {  	_ =	swait.ge [sflag:s23], $0x1  }
0xa3: {  	[sflag:s23] =	ssyncset.done $0x0  }
0xa4: {  	s25 =	simm.s32 $0x1B8E;
	s24 =	sld [smem:$0x3FFE];
	[sflag:s23] =	ssyncadd.s32 $0xFFFFFFFF  }
0xa5: {  	s26 =	simm.s32 $execute0_lowered;
	[smem:$0x3FD2] =	sst s25  }
0xa6: {  	s5 =	sshll.u32 s26, $0x1;
	_ =	strace $0x80000046;
	[dreg:$0x1] =	wrdreg $0xFFFFFFFF  }
0xa7: {  	s28 =	simm.s32 $_size_execute0_lowered;
	s3 =	sadd.s32 s3, s5;
	[dreg:$0x0] =	wrdreg $0x0  }
0xa8: {  	s5 =	sshll.u32 s28, $0x1;
	[dreg:$0x2] =	wrdreg s3  }
0xa9: {  	[dreg:$0x3] =	wrdreg s5  }
0xaa: {  	[dreg:$0x4] =	wrdreg $0xC0  }
0xab: {  	_ =	task [dreg:s7], $0x5FFFF  }
0xac: {  	[dreg:$0x1] =	wrdreg $0xFFFFFFFF  }
0xad: {  	[dreg:$0x0] =	wrdreg $0x60  }
0xae: {  	[dreg:$0x2] =	wrdreg s2  }
0xaf: {  	[dreg:$0x3] =	wrdreg s24  }
0xb0: {  	[dreg:$0x4] =	wrdreg $0x9  }
0xb1: {  	_ =	task.clear_ibuf [dreg:s7], $0x5FFFF;
	_ =	strace $0x90000046  }
0xb2: {  	s29 =	simm.s32 $0x9;
	_ =	strace $0x80000048  }
0xb3: {  	_ =	swait.ge [sflag:s29], $0x1  }
0xb4: {  	[sflag:s29] =	ssyncadd.s32 $0xFFFFFFFF  }
0xb5: {  	_ =	strace $0x90000048  }
0xb6: {  	_ =	sfence  }
0xb7: {  	s30 =	sld [smem:$0x0];
	_ =	sdelay $0x2  }
0xb8: {  	s31 =	sshll.u32 s1, $0xD;
	s1 =	sshrl.u32 s1, $0x2  }
0xb9: {  	s3 =	sand.u32 $0x4000, s31;
	s1 =	sadd.s32 s1, s30  }
0xba: {  	s0 =	sor.u32 s3, s0;
	s1 =	sshll.u32 s1, $0x11  }
0xbb: {  	s0 =	sor.u32 s1, s0  }
0xbc: {  	s0 =	sadd.s32 $0x8F2B, s0  }
0xbd: {  	[sflag:s0] =	ssyncadd.remote.s32 $0x1  }
0xbe: {  	_ =	sfence.sel $0xFFFF  }
0xbf: {  	[dreg:$0x0] =	wrdreg $0xFFFFFFFF;
	(pc) =	sbr.abs _section_cstart, $3  }
0xc0: {  	[dreg:$0x1] =	wrdreg $0xFFFFFFFF  }
0xc1: {  	_ =	task.clear_ibuf [dreg:s7], $0x2FFFF;
	_ =	strace $0x9FFFFFFF  }
0xc2: {  	(tm) =	ssettm $0x7FFFFFFF  }
0xc3: {  	_ =	shalt  }
tec
execute0_lowered:
.L_overlay_start_1:
0x0: {  	(tag) =	ssettag $0x1  }
0x1: {  	s6 =	rddreg [dreg:$0x0]  }
0x2: {  	s0 =	rddreg [dreg:$0x1];
	s1 =	simm.s32 $0x0  }
0x3: {  	[smem:$0x7FF] =	sst s1;
	s9 =	sadd.s32 $0x10A600, s0  }
0x4: {  	s7 =	sadd.s32 $0xA600, s0;
	_ =	strace $0x80000047;
	[dreg:$0xf] =	wrdreg s9  }
0x5: {  	s8 =	sadd.s32 $0x8A600, s0;
	[dreg:$0xd] =	wrdreg s7  }
0x6: {  	s21 =	srdreg.scid;
	s23 =	sadd.s32 $0xA700, s0;
	[dreg:$0xe] =	wrdreg s8  }
0x7: {  	s4 =	stileid.u32;
	s24 =	sadd.s32 $0xA800, s0;
	[dreg:$0x13] =	wrdreg s23  }
0x8: {  	s1 =	sand.u32 $0x1, s21;
	s25 =	sadd.s32 $0xA900, s0;
	[dreg:$0x14] =	wrdreg s24  }
0x9: {  	s2 =	sshll.u32 s4, $0x1;
	s26 =	sadd.s32 $0x8A700, s0;
	[dreg:$0x15] =	wrdreg s25  }
0xa: {  	s4 =	sshll.u32 s4, $0xF;
	s28 =	sadd.s32 $0x8A800, s0;
	[dreg:$0x17] =	wrdreg s26  }
0xb: {  	s29 =	sadd.s32 $0x8A900, s0;
	s30 =	sadd.s32 $0x400, s6;
	[dreg:$0x18] =	wrdreg s28  }
0xc: {  	s2 =	sor.u32 s1, s2;
	s4 =	sand.u32 $0x40000, s4;
	[dreg:$0x19] =	wrdreg s29  }
0xd: {  	s1 =	ssub.s32 $0x2, s1;
	[dreg:$0x1b] =	wrdreg s30;
	s22 =	sadd.s32 s7, s4  }
0xe: {  	s3 =	sshll.u32 s2, $0xA;
	s4 =	sadd.s32 s8, s4;
	[dreg:$0x10] =	wrdreg s22  }
0xf: {  	s5 =	sshrl.u32 s1, $0x1;
	s2 =	sshll.u32 s2, $0x7;
	[dreg:$0x11] =	wrdreg s4  }
0x10: {  	v2 =	vlaneseq.u32;
	s3 =	sadd.s32 s3, s0;
	[dreg:$0x16] =	wrdreg s2;
	s0 =	sadd.s32 $0x10AA00, s0  }
0x11: {  	v37 =	vand.u32 $0x7, v2;
	s1 =	ssub.s32 s1, s5;
	s3 =	sadd.s32 $0x2600, s3;
	[dreg:$0x1a] =	wrdreg s0  }
0x12: {  	v1 =	vshrl.u32 v2, $0x3;
	v38 =	vor.u32 $0x8, v2;
	[tilespmem:$0x1FFE0] =	vst v37;
	s23 =	simm.s32 $0x0;
	s31 =	smax.u32 s1, $0x1;
	[dreg:$0x12] =	wrdreg s3  }
0x13: {  	vm0 =	vmmov $0xffff;
	v1 =	vmul.u32 $0x8, v1;
	[tilespmem:$0x1FFF0] =	vst v38;
	s5 =	simm.s32 $0x4;
	s2 =	simm.s32 $0x0;
	[dreg:$0x1c] =	wrdreg s31  }
.LBB2_1:
0x14: {  	[dreg:$0x1d] =	wrdreg s2  }
0x15: {  	s0 =	rddreg [dreg:$0x10]  }
0x16: {  	s1 =	simm.s32 $0x80;
	s15 =	simm.s32 $0x400;
	s3 =	simm.s32 $0x1C000  }
0x17: {  	[tilespmem:s3], [sflag:$0x4] =	stream.strided.gather [hbm4b:s0+s1], $0x400, s15, s1, $0x38;
	[tilespmem:$0x1E800] =	vst v63  }
0x18: {  	_ =	swait.ge [sflag:s5], $0x400  }
0x19: {  	[sflag:s5] =	ssyncset.done $0x0  }
0x1a: {  	s17 =	simm.s32 $0x1C400;
	s16 =	rddreg [dreg:$0x11];
	[sflag:s5] =	ssyncadd.s32 $0xFFFFFC00  }
0x1b: {  	[tilespmem:s17], [sflag:$0x4] =	stream.strided.gather [hbm4b:s16+s1], $0x400, s15, s1, $0x38;
	[tilespmem:$0x1E800] =	vst v63  }
0x1c: {  	_ =	swait.ge [sflag:s5], $0x400  }
0x1d: {  	[sflag:s5] =	ssyncset.done $0x0  }
0x1e: {  	s18 =	simm.s32 $0x0;
	s19 =	rddreg [dreg:$0x12];
	[sflag:s5] =	ssyncadd.s32 $0xFFFFFC00  }
0x1f: {  	[tilespmem:s18], [sflag:$0x4] =	stream.linear.gather [hbm4b:s19+s18], $0x2000, $0x38;
	[tilespmem:$0x1E800] =	vst v63  }
0x20: {  	_ =	swait.ge [sflag:s5], $0x2000  }
0x21: {  	[sflag:s5] =	ssyncset.done $0x0  }
0x22: {  	[sflag:s5] =	ssyncadd.s32 $0xFFFFE000  }
0x23: {  	v3 =	vld [tilespmem:$0x0];
	_ =	sdelay $0x4  }
0x24: {  	v4 =	vshll.u32 v3, $0x3  }
0x25: {  	v3 =	vand.u32 $0x7, v3;
	v4 =	vand.u32 $0xFFFFFFC0, v4  }
0x26: {  	v3 =	vor.u32 v3, v4  }
0x27: {  	v4 =	vperm.xlane v3, v37;
	_ =	sdelay $0x1  }
0x28: {  	v4 =	vadd.s32 v1, v4;
	_ =	sdelay $0x3  }
0x29: {  	s21 =	simm.s32 $0x4000;
	s20 =	rddreg [dreg:$0xd]  }
0x2a: {  	[tilespmem:s21], [sflag:$0x1] =	stream.indirect_vreg.gather [hbm4b:s20+s18], $0x80, v4, vm0, $0xb8;
	[tilespmem:$0x1E800] =	vst v63  }
0x2b: {  	s24 =	simm.s32 $0x4800;
	s22 =	rddreg [dreg:$0x13];
	v3 =	vperm.xlane v3, v38  }
0x2c: {  	[tilespmem:s24], [sflag:$0x1] =	stream.indirect_vreg.gather [hbm4b:s22+s18], $0x80, v4, vm0, $0xb8;
	[tilespmem:$0x1E800] =	vst v63  }
0x2d: {  	s4 =	simm.s32 $0x5000;
	s25 =	rddreg [dreg:$0x14];
	v3 =	vadd.s32 v1, v3  }
0x2e: {  	[tilespmem:s4], [sflag:$0x1] =	stream.indirect_vreg.gather [hbm4b:s25+s18], $0x80, v4, vm0, $0xb8;
	[tilespmem:$0x1E800] =	vst v63  }
0x2f: {  	s6 =	simm.s32 $0x5800;
	s26 =	rddreg [dreg:$0x15]  }
0x30: {  	[tilespmem:s6], [sflag:$0x1] =	stream.indirect_vreg.gather [hbm4b:s26+s18], $0x80, v4, vm0, $0xb8;
	[tilespmem:$0x1E800] =	vst v63  }
0x31: {  	s28 =	simm.s32 $0x6000  }
0x32: {  	[tilespmem:s28], [sflag:$0x1] =	stream.indirect_vreg.gather [hbm4b:s20+s18], $0x80, v3, vm0, $0xb8;
	[tilespmem:$0x1E800] =	vst v63  }
0x33: {  	s29 =	simm.s32 $0x6800  }
0x34: {  	[tilespmem:s29], [sflag:$0x1] =	stream.indirect_vreg.gather [hbm4b:s22+s18], $0x80, v3, vm0, $0xb8;
	[tilespmem:$0x1E800] =	vst v63  }
0x35: {  	s30 =	simm.s32 $0x7000  }
0x36: {  	[tilespmem:s30], [sflag:$0x1] =	stream.indirect_vreg.gather [hbm4b:s25+s18], $0x80, v3, vm0, $0xb8;
	[tilespmem:$0x1E800] =	vst v63  }
0x37: {  	s31 =	simm.s32 $0x7800;
	s6 =	simm.s32 $0x0  }
0x38: {  	[tilespmem:s31], [sflag:$0x1] =	stream.indirect_vreg.gather [hbm4b:s26+s18], $0x80, v3, vm0, $0xb8;
	[tilespmem:$0x1E800] =	vst v63  }
.LBB2_2:
0x39: {  	s0 =	sshll.u32 s6, $0x4;
	s1 =	rddreg [dreg:$0x16]  }
0x3a: {  	s0 =	sadd.s32 s1, s0  }
0x3b: {  	s2 =	rddreg [dreg:$0x0];
	s1 =	sshll.u32 s0, $0x7  }
0x3c: {  	s3 =	simm.s32 $0x2000;
	s17 =	smax.u32 s0, $0x8;
	s2 =	sadd.s32 s2, s1  }
0x3d: {  	[tilespmem:s3], [sflag:$0x4] =	stream.linear.gather [hbm4b:s2+s23], $0x2000, $0x38;
	[tilespmem:$0x1E800] =	vst v63  }
0x3e: {  	s2 =	smin.u32 s17, $0xFE8  }
0x3f: {  	s19 =	simm.s32 $0xC000;
	_ =	swait.ge [sflag:s5], $0x2000;
	s2 =	sadd.s32 $0xFFFFFFF8, s2  }
0x40: {  	[sflag:s5] =	ssyncset.done $0x0;
	s18 =	sshll.u32 s2, $0x7;
	s4 =	rddreg [dreg:$0xd]  }
0x41: {  	s20 =	rddreg [dreg:$0xe];
	[sflag:s5] =	ssyncadd.s32 $0xFFFFE000;
	s4 =	sadd.s32 s4, s18  }
0x42: {  	[tilespmem:s19], [sflag:$0x3] =	stream.linear.gather [hbm4b:s4+s23], $0x8000, $0x38;
	[tilespmem:$0x1E800] =	vst v63  }
0x43: {  	s21 =	simm.s32 $0x14000;
	s22 =	simm.s32 $0x3;
	s3 =	sadd.s32 s20, s18  }
0x44: {  	[tilespmem:s21], [sflag:$0x3] =	stream.linear.gather [hbm4b:s3+s23], $0x8000, $0x38;
	[tilespmem:$0x1E800] =	vst v63  }
0x45: {  	s0 =	ssub.s32 s0, s2;
	_ =	swait.ge [sflag:s22], $0x8000;
	[dreg:$0x1e] =	wrdreg s6  }
0x46: {  	s24 =	sshll.u32 s6, $0x3;
	[dreg:$0x1f] =	wrdreg s0  }
0x47: {  	s25 =	sadd.s32 $0xFFFFFFFF, s0;
	[smem:$0x7F7] =	sst s24  }
0x48: {  	s26 =	sor.u32 $0x1, s0;
	[smem:$0x7F8] =	sst s25  }
0x49: {  	s0 =	sor.u32 $0x2, s0;
	[smem:$0x7F9] =	sst s26  }
0x4a: {  	[smem:$0x7FA] =	sst s0  }
0x4b: {  	s28 =	rddreg [dreg:$0x1a]  }
.Ltmp0:
0x4c: {  	s29 =	rddreg [dreg:$0xf];
	(pc) =	sbr.rel .LBB2_3-.Ltmp0, $4  }
0x4d: {  	s31 =	rddreg [dreg:$0x1b];
	s0 =	sadd.s32 s1, s28  }
0x4e: {  	[smem:$0x7FB] =	sst s0;
	s0 =	sadd.s32 s29, s1  }
0x4f: {  	[sflag:s22] =	ssyncset.done $0x0;
	[smem:$0x7FC] =	sst s0;
	s0 =	sadd.s32 s1, s31  }
0x50: {  	s30 =	simm.s32 $0x0;
	[sflag:s22] =	ssyncadd.s32 $0xFFFF8000;
	[smem:$0x7FD] =	sst s0  }
.LBB2_12:
0x51: {  	s2 =	sld [smem:$0x7FC];
	_ =	sdelay $0x1  }
0x52: {  	s0 =	simm.s32 $0x0;
	s1 =	simm.s32 $0x1C800;
	s29 =	simm.s32 $0x5  }
0x53: {  	[hbm4b:s2+s0] =	stream.linear.scatter [tilespmem:s1], [sflag:$0x5], $0x2000, $0x38;
	[tilespmem:$0x1E800] =	vst v63  }
0x54: {  	_ =	swait.ge [sflag:s29], $0x2000  }
0x55: {  	s3 =	sld [smem:$0x7FD]  }
0x56: {  	[sflag:s29] =	ssyncset.done $0x0  }
0x57: {  	s31 =	simm.s32 $0x2000;
	[sflag:s29] =	ssyncadd.s32 $0xFFFFE000  }
0x58: {  	[tilespmem:s31], [sflag:$0x5] =	stream.linear.gather [hbm4b:s3+s0], $0x2000, $0x38;
	[tilespmem:$0x1E800] =	vst v63  }
0x59: {  	_ =	swait.ge [sflag:s29], $0x2000  }
0x5a: {  	[sflag:s29] =	ssyncset.done $0x0  }
0x5b: {  	[sflag:s29] =	ssyncadd.s32 $0xFFFFE000  }
.LBB2_13:
0x5c: {  	s30 =	sadd.s32 $0x1, s30  }
.LBB2_3:
0x5d: {  	s0 =	sld [smem:$0x7F7];
	_ =	sdelay $0x1  }
0x5e: {  	s2 =	simm.s32 $0x1  }
0x5f: {  	_ =	swait.ge [sflag:s2], $0x4000;
	s0 =	sadd.s32 s0, s30  }
0x60: {  	[sflag:s2] =	ssyncset.done $0x0;
	s1 =	sshll.u32 s0, $0x7  }
0x61: {  	[sflag:s2] =	ssyncadd.s32 $0xFFFFC000;
	s1 =	sand.u32 $0x3FFFFF80, s1  }
0x62: {  	v3 =	vld [tilespmem:s1+$0x0];
	_ =	sdelay $0x4  }
0x63: {  	v4 =	vshll.u32 v3, $0x3  }
0x64: {  	v3 =	vand.u32 $0x7, v3;
	v4 =	vand.u32 $0xFFFFFFC0, v4  }
0x65: {  	v3 =	vor.u32 v3, v4  }
0x66: {  	v4 =	vperm.xlane v3, v37;
	_ =	sdelay $0x1  }
0x67: {  	v4 =	vadd.s32 v1, v4;
	_ =	sdelay $0x2  }
0x68: {  	s14 =	simm.s32 $0x8000;
	s3 =	simm.s32 $0x8800;
	s4 =	simm.s32 $0x9000  }
0x69: {  	s5 =	simm.s32 $0x9800;
	s18 =	simm.s32 $0xA000;
	s13 =	rddreg [dreg:$0xe]  }
0x6a: {  	[tilespmem:s14], [sflag:$0x2] =	stream.indirect_vreg.gather [hbm4b:s13+s23], $0x80, v4, vm0, $0xb8;
	[tilespmem:$0x1E800] =	vst v63  }
0x6b: {  	s19 =	simm.s32 $0xA800;
	s20 =	simm.s32 $0xB000;
	s15 =	rddreg [dreg:$0x17];
	v3 =	vperm.xlane v3, v38  }
0x6c: {  	[tilespmem:s3], [sflag:$0x2] =	stream.indirect_vreg.gather [hbm4b:s15+s23], $0x80, v4, vm0, $0xb8;
	[tilespmem:$0x1E800] =	vst v63  }
0x6d: {  	s21 =	simm.s32 $0xB800;
	s6 =	sshll.u32 s30, $0x8;
	s16 =	rddreg [dreg:$0x18];
	v3 =	vadd.s32 v1, v3  }
0x6e: {  	[tilespmem:s4], [sflag:$0x2] =	stream.indirect_vreg.gather [hbm4b:s16+s23], $0x80, v4, vm0, $0xb8;
	[tilespmem:$0x1E800] =	vst v63  }
0x6f: {  	s28 =	sand.u32 $0x60, s23;
	s7 =	simm.s32 $0x1C000;
	s17 =	rddreg [dreg:$0x19]  }
0x70: {  	[tilespmem:s5], [sflag:$0x2] =	stream.indirect_vreg.gather [hbm4b:s17+s23], $0x80, v4, vm0, $0xb8;
	[tilespmem:$0x1E800] =	vst v63  }
0x71: {  	s8 =	sand.u32 $0x380, s23;
	s10 =	sor.u32 s23, s23;
	s22 =	sld [smem:$0x7F8]  }
0x72: {  	[tilespmem:s18], [sflag:$0x2] =	stream.indirect_vreg.gather [hbm4b:s13+s23], $0x80, v3, vm0, $0xb8;
	[tilespmem:$0x1E800] =	vst v63  }
0x73: {  	s29 =	sand.u32 $0x1C00, s23;
	s24 =	rddreg [dreg:$0x1f];
	s3 =	sshll.u32 s30, $0x1  }
0x74: {  	[tilespmem:s19], [sflag:$0x2] =	stream.indirect_vreg.gather [hbm4b:s15+s23], $0x80, v3, vm0, $0xb8;
	[tilespmem:$0x1E800] =	vst v63  }
0x75: {  	s31 =	sand.u32 $0x300, s6;
	s25 =	sld [smem:$0x7F9];
	s1 =	sadd.s32 s3, s22  }
0x76: {  	[tilespmem:s20], [sflag:$0x2] =	stream.indirect_vreg.gather [hbm4b:s16+s23], $0x80, v3, vm0, $0xb8;
	[tilespmem:$0x1E800] =	vst v63  }
0x77: {  	s2 =	sadd.s32 s24, s3;
	p0 =	sgt.s32 s1, $0x0;
	s13 =	sor.u32 $0x10, s28  }
0x78: {  	[tilespmem:s21], [sflag:$0x2] =	stream.indirect_vreg.gather [hbm4b:s17+s23], $0x80, v3, vm0, $0xb8;
	[tilespmem:$0x1E800] =	vst v63  }
0x79: {  	s4 =	sadd.s32 s3, s25;
	s1 =	simm.s32 @!p0 $0x0;
	s8 =	sor.u32 s13, s8;
	v4 =	vld [tilespmem:s7+$0x0]  }
0x7a: {  	p0 =	sgt.s32 s2, $0x0;
	s7 =	sor.u32 $0x380, s10;
	v5 =	vld [tilespmem:s8+$0x1C000];
	s10 =	sor.u32 $0x4000, s29  }
0x7b: {  	p1 =	sgt.s32 s4, $0x0;
	s2 =	simm.s32 @!p0 $0x0;
	v7 =	vld [tilespmem:s7+$0x4000];
	s11 =	sor.u32 s13, s10  }
0x7c: {  	s4 =	simm.s32 @!p1 $0x0;
	s1 =	smin.u32 s1, $0x1F;
	s26 =	smin.u32 s2, $0x1F;
	v8 =	vld [tilespmem:s11+$0x0]  }
0x7d: {  	s4 =	smin.u32 s4, $0x1F;
	s9 =	sshll.u32 s1, $0xA;
	s1 =	sshll.u32 s1, $0x7;
	v9 =	vld [tilespmem:s11+$0x80]  }
0x7e: {  	s2 =	sand.u32 $0x6000, s9;
	s9 =	sshll.u32 s26, $0xA;
	s5 =	sshll.u32 s26, $0x7;
	v10 =	vld [tilespmem:s11+$0x100]  }
0x7f: {  	s14 =	sshll.u32 s4, $0xA;
	s4 =	sshll.u32 s4, $0x7;
	s8 =	sand.u32 $0x380, s1;
	v11 =	vld [tilespmem:s11+$0x180]  }
0x80: {  	s24 =	sand.u32 $0x380, s5;
	s19 =	sand.u32 $0x6000, s9;
	s1 =	sor.u32 s8, s2;
	v12 =	vld [tilespmem:s11+$0x200]  }
0x81: {  	s12 =	sor.u32 s24, s19;
	s16 =	sor.u32 s28, s10;
	s1 =	sadd.s32 $0xC000, s1;
	v13 =	vld [tilespmem:s11+$0x280]  }
0x82: {  	s9 =	sand.u32 $0x6000, s14;
	v15 =	vld [tilespmem:s16+$0x0];
	[dreg:$0x4] =	wrdreg s1;
	s1 =	sadd.s32 $0xC000, s12  }
0x83: {  	s15 =	sor.u32 $0x2000, s31;
	v17 =	vld [tilespmem:s16+$0x80];
	[dreg:$0x5] =	wrdreg s1;
	s1 =	sand.u32 $0x380, s4  }
0x84: {  	[dreg:$0x3] =	wrdreg s15;
	v19 =	vld [tilespmem:s16+$0x100];
	s20 =	sor.u32 s1, s9  }
0x85: {  	s22 =	rddreg [dreg:$0x3];
	v20 =	vld [tilespmem:s16+$0x180];
	s7 =	sadd.s32 $0xC000, s20  }
0x86: {  	v22 =	vld [tilespmem:s16+$0x200];
	[dreg:$0x6] =	wrdreg s7;
	s7 =	sadd.s32 s29, s22  }
0x87: {  	v24 =	vld [tilespmem:s16+$0x280];
	s4 =	sor.u32 $0x6000, s29;
	s25 =	rddreg [dreg:$0x4];
	s18 =	sadd.s32 s13, s7  }
0x88: {  	s21 =	sor.u32 s28, s4;
	s5 =	sadd.s32 s29, s25;
	v23 =	vld [tilespmem:s18+$0x0]  }
0x89: {  	s26 =	rddreg [dreg:$0x5];
	v16 =	vld [tilespmem:s21+$0x0];
	s12 =	sadd.s32 s13, s5  }
0x8a: {  	s11 =	sadd.s32 s29, s26;
	s5 =	sadd.s32 s28, s5;
	v18 =	vld [tilespmem:s12+$0x0]  }
0x8b: {  	s15 =	sadd.s32 s13, s11;
	v32 =	vld [tilespmem:s5+$0x0]  }
0x8c: {  	s14 =	sand.u32 $0x3, s23;
	s17 =	rddreg [dreg:$0x6];
	v6 =	vld [tilespmem:s15+$0x0];
	s20 =	sadd.s32 s28, s7  }
0x8d: {  	s22 =	sadd.s32 s28, s11;
	s17 =	sadd.s32 s29, s17;
	s18 =	sshll.u32 s14, $0x5;
	v25 =	vld [tilespmem:s20+$0x0];
	v27 =	vmul.f32 v5, v23  }
0x8e: {  	v14 =	vld [tilespmem:s22+$0x0];
	s16 =	sadd.s32 s13, s17;
	s18 =	sadd.s32 $0x0, s18;
	v8 =	vmul.f32 v8, v23;
	v30 =	vmul.f32 v9, v23  }
0x8f: {  	v3 =	vld [tilespmem:s16+$0x0];
	s21 =	sor.u32 $0x300, s18;
	v31 =	vmul.f32 v10, v23;
	v37 =	vmul.f32 v11, v23  }
0x90: {  	s25 =	sadd.s32 s28, s17;
	s26 =	sadd.s32 $0x10, s18;
	v29 =	vld [tilespmem:s21+$0x4000];
	v35 =	vmul.f32 v12, v23;
	v28 =	vmul.f32 v13, v23  }
0x91: {  	s7 =	sadd.s32 $0x80, s7;
	s10 =	sor.u32 $0x300, s26;
	v26 =	vmul.f32 v18, v23;
	v9 =	vld [tilespmem:s25+$0x0];
	v21 =	vmul.f32 v6, v23  }
0x92: {  	s11 =	sadd.s32 s28, s7;
	v12 =	vmul.f32 v4, v25;
	v13 =	vmul.f32 v15, v25;
	v15 =	vld [tilespmem:s10+$0x4000]  }
0x93: {  	s12 =	sor.u32 $0x380, s26;
	v11 =	vld [tilespmem:s11+$0x0];
	v33 =	vmul.f32 v17, v25;
	v34 =	vmul.f32 v19, v25  }
0x94: {  	s15 =	sor.u32 $0x6080, s29;
	s14 =	sadd.s32 s13, s7;
	v41 =	vmul.f32 v20, v25;
	v47 =	vmul.f32 v22, v25;
	v17 =	vld [tilespmem:s12+$0x4000]  }
0x95: {  	s17 =	sor.u32 $0x6100, s29;
	s16 =	sor.u32 s28, s15;
	v45 =	vmul.f32 v24, v25;
	v10 =	vld [tilespmem:s14+$0x0];
	v40 =	vmul.f32 v7, v25  }
0x96: {  	s18 =	sor.u32 s28, s17;
	s21 =	sor.u32 $0x6180, s29;
	v39 =	vmul.f32 v32, v25;
	v19 =	vld [tilespmem:s16+$0x0];
	v38 =	vmul.f32 v14, v25  }
0x97: {  	v20 =	vimm.f32 $0.0e+00;
	v22 =	vld [tilespmem:s18+$0x0];
	s25 =	sor.u32 s28, s21;
	v32 =	vimm.f32 $0.0e+00;
	v18 =	vmul.f32 v3, v23  }
0x98: {  	s4 =	sor.u32 s13, s4;
	v24 =	vld [tilespmem:s25+$0x0];
	v12 =	vadd.f32 v12, v20;
	v13 =	vadd.f32 v13, v20;
	v43 =	vmul.f32 v29, v25  }
0x99: {  	s20 =	sor.u32 s13, s15;
	v7 =	vld [tilespmem:s4+$0x0];
	v41 =	vadd.f32 v41, v20;
	v36 =	vmul.f32 v9, v25;
	v4 =	vmul.f32 v4, v11  }
0x9a: {  	s22 =	sor.u32 s13, s17;
	s26 =	sor.u32 $0x6200, s29;
	v29 =	vimm.f32 $0.0e+00;
	v46 =	vmul.f32 v15, v23;
	v15 =	vmul.f32 v16, v11;
	v16 =	vld [tilespmem:s20+$0x0]  }
0x9b: {  	s10 =	sld [smem:$0x7FA];
	s11 =	sor.u32 s28, s26;
	v44 =	vmul.f32 v17, v23;
	v5 =	vmul.f32 v5, v10;
	v23 =	vld [tilespmem:s22+$0x0];
	v17 =	vadd.f32 v27, v12  }
0x9c: {  	s12 =	sor.u32 s13, s21;
	v12 =	vmul.f32 v19, v11;
	v25 =	vld [tilespmem:s11+$0x0];
	v19 =	vadd.f32 v8, v13;
	v8 =	vmul.f32 v22, v11  }
0x9d: {  	v13 =	vld [tilespmem:s12+$0x0];
	v27 =	vmul.f32 v24, v11;
	v4 =	vadd.f32 v4, v20;
	v15 =	vadd.f32 v15, v20  }
0x9e: {  	s3 =	sadd.s32 s3, s10;
	v7 =	vmul.f32 v7, v10;
	v12 =	vadd.f32 v12, v20;
	v8 =	vadd.f32 v8, v20  }
0x9f: {  	s15 =	sor.u32 $0x6280, s29;
	p0 =	sgt.s32 s3, $0x0;
	v42 =	vadd.f32 v27, v20;
	v27 =	vimm.f32 $0.0e+00;
	v4 =	vadd.f32 v5, v4  }
0xa0: {  	s16 =	sor.u32 s13, s26;
	s18 =	sor.u32 s28, s15;
	s3 =	simm.s32 @!p0 $0x0;
	v5 =	vadd.f32 v7, v15;
	v7 =	vadd.f32 v33, v20;
	v33 =	vimm.f32 $0.0e+00  }
0xa1: {  	s21 =	sor.u32 $0x6300, s29;
	s4 =	sor.u32 $0x6380, s29;
	s3 =	smin.u32 s3, $0x1F;
	v15 =	vmul.f32 v16, v10;
	v16 =	vadd.f32 v34, v20;
	v22 =	vmul.f32 v23, v10  }
0xa2: {  	v48 =	vld [tilespmem:s16+$0x0];
	s25 =	sor.u32 s28, s21;
	s14 =	sshll.u32 s3, $0xA;
	s3 =	sshll.u32 s3, $0x7;
	v53 =	vmul.f32 v25, v11;
	v54 =	vmul.f32 v13, v10;
	v25 =	vimm.f32 $0.0e+00  }
0xa3: {  	v49 =	vld [tilespmem:s18+$0x0];
	s26 =	sor.u32 s13, s21;
	s20 =	sand.u32 $0x6000, s14;
	s6 =	sand.u32 $0x380, s3;
	v13 =	vimm.f32 $0.0e+00;
	v34 =	vimm.f32 $0.0e+00;
	v23 =	vadd.f32 v30, v7  }
0xa4: {  	s18 =	simm.s32 $0x100;
	s5 =	sor.u32 s28, s4;
	v52 =	vld [tilespmem:s25+$0x0];
	s17 =	sor.u32 s6, s20;
	v30 =	vimm.f32 $0.0e+00;
	v7 =	vadd.f32 v15, v12;
	v24 =	vadd.f32 v31, v16  }
0xa5: {  	v51 =	vld [tilespmem:s26+$0x0];
	s25 =	simm.s32 $0x20;
	s3 =	sor.u32 s13, s15;
	s22 =	sadd.s32 $0xC000, s17;
	v8 =	vadd.f32 v22, v8;
	v22 =	vimm.f32 $0.0e+00;
	v16 =	vimm.f32 $0.0e+00  }
0xa6: {  	s26 =	simm.s32 $0x0;
	v50 =	vld [tilespmem:s3+$0x0];
	s3 =	simm.s32 $0x1C020;
	[dreg:$0x7] =	wrdreg s22;
	v31 =	vimm.f32 $0.0e+00;
	v15 =	vimm.f32 $0.0e+00;
	v12 =	vimm.f32 $0.0e+00  }
.LBB2_4:
0xa7: {  	s15 =	rddreg [dreg:$0x7]  }
0xa8: {  	v62 =	vld [tilespmem:s5+$0x0];
	s4 =	sor.u32 s13, s4;
	s5 =	sadd.s32 s29, s15  }
0xa9: {  	v42 =	vadd.f32 v54, v42;
	v54 =	vld [tilespmem:s4+$0x0];
	s22 =	sadd.s32 s28, s5  }
0xaa: {  	s7 =	sand.u32 $0x60, s25;
	s17 =	sand.u32 $0x380, s25;
	s12 =	sadd.s32 s13, s5;
	v58 =	vld [tilespmem:s22+$0x0]  }
0xab: {  	s21 =	sor.u32 s18, s25;
	s10 =	sor.u32 $0x10, s7;
	s29 =	sand.u32 $0x1C00, s18;
	v59 =	vld [tilespmem:s12+$0x0]  }
0xac: {  	v32 =	vadd.f32 v45, v32;
	s16 =	sor.u32 $0x380, s21;
	s17 =	sor.u32 s10, s17;
	s21 =	sor.u32 $0x4000, s29;
	v63 =	vmul.f32 v48, v10;
	v48 =	vld [tilespmem:s3+$0x0]  }
0xad: {  	v14 =	vmul.f32 v14, v11;
	s11 =	sor.u32 s10, s21;
	v55 =	vmul.f32 v49, v11;
	v49 =	vld [tilespmem:s17+$0x1C000]  }
0xae: {  	v32 =	vadd.f32 v28, v32;
	v28 =	vld [tilespmem:s11+$0x0]  }
0xaf: {  	v6 =	vmul.f32 v6, v10;
	v14 =	vadd.f32 v14, v15;
	v60 =	vld [tilespmem:s11+$0x80]  }
0xb0: {  	v31 =	vadd.f32 v39, v31;
	v61 =	vld [tilespmem:s11+$0x100]  }
0xb1: {  	v30 =	vadd.f32 v40, v30;
	s28 =	smov.u32 s7;
	s4 =	sor.u32 $0x6000, s29;
	v15 =	vadd.f32 v6, v14;
	v14 =	vld [tilespmem:s11+$0x200]  }
0xb2: {  	v31 =	vadd.f32 v26, v31;
	s15 =	sor.u32 s28, s4;
	v26 =	vld [tilespmem:s11+$0x280]  }
0xb3: {  	v30 =	vadd.f32 v44, v30;
	s14 =	sor.u32 s28, s21;
	v44 =	vld [tilespmem:s15+$0x0]  }
0xb4: {  	v6 =	vadd.f32 v38, v33;
	v38 =	vld [tilespmem:s14+$0x100]  }
0xb5: {  	v29 =	vadd.f32 v43, v29;
	v43 =	vld [tilespmem:s14+$0x180]  }
0xb6: {  	v45 =	vld [tilespmem:s14+$0x200]  }
0xb7: {  	v29 =	vadd.f32 v46, v29;
	v46 =	vld [tilespmem:s14+$0x280]  }
0xb8: {  	v27 =	vadd.f32 v53, v27;
	s21 =	rddreg [dreg:$0x5];
	v57 =	vmul.f32 v62, v11;
	v62 =	vld [tilespmem:s11+$0x180]  }
0xb9: {  	v9 =	vmul.f32 v9, v11;
	s13 =	smov.u32 s10;
	s5 =	sadd.s32 s29, s21;
	v25 =	vadd.f32 v55, v25;
	v55 =	vmul.f32 v50, v10;
	v50 =	vld [tilespmem:s16+$0x4000];
	s16 =	rddreg [dreg:$0x3]  }
0xba: {  	s17 =	rddreg [dreg:$0x4];
	s15 =	sadd.s32 s13, s5;
	v27 =	vadd.f32 v63, v27;
	v63 =	vld [tilespmem:s14+$0x0];
	s10 =	sadd.s32 s29, s16  }
0xbb: {  	v3 =	vmul.f32 v3, v10;
	v9 =	vadd.f32 v9, v13;
	s7 =	sadd.s32 s29, s17;
	v33 =	vadd.f32 v21, v6;
	v6 =	vld [tilespmem:s15+$0x0];
	s22 =	sadd.s32 s13, s10  }
0xbc: {  	v20 =	vadd.f32 v47, v20;
	v34 =	vadd.f32 v36, v34;
	v56 =	vmul.f32 v51, v10;
	s11 =	rddreg [dreg:$0x6];
	s12 =	sadd.s32 s13, s7;
	v51 =	vld [tilespmem:s22+$0x0]  }
0xbd: {  	v52 =	vmul.f32 v52, v11;
	v13 =	vadd.f32 v3, v9;
	s21 =	sadd.s32 s29, s11;
	s7 =	sadd.s32 s28, s7;
	v9 =	vld [tilespmem:s12+$0x0];
	v11 =	vmul.f32 v58, v11  }
0xbe: {  	v41 =	vadd.f32 v37, v41;
	v20 =	vadd.f32 v35, v20;
	s16 =	sadd.s32 s13, s21;
	v39 =	vld [tilespmem:s7+$0x0]  }
0xbf: {  	v35 =	vmul.f32 v54, v10;
	v10 =	vmul.f32 v59, v10;
	s11 =	sadd.s32 s28, s10;
	v3 =	vld [tilespmem:s16+$0x0];
	v11 =	vadd.f32 v11, v12  }
0xc0: {  	v22 =	vadd.f32 v52, v22;
	v16 =	vadd.f32 v57, v16;
	s10 =	sadd.s32 $0x80, s10;
	v52 =	vld [tilespmem:s11+$0x0]  }
0xc1: {  	s26 =	sadd.s32 $0x1, s26;
	s17 =	sadd.s32 s28, s10;
	v12 =	vadd.f32 v10, v11;
	v10 =	vld [tilespmem:s14+$0x80];
	v53 =	vmul.f32 v49, v51;
	v54 =	vmul.f32 v28, v51  }
0xc2: {  	s5 =	sadd.s32 s28, s5;
	v22 =	vadd.f32 v56, v22;
	s14 =	sand.u32 $0x3, s26;
	v11 =	vld [tilespmem:s17+$0x0];
	v56 =	vmul.f32 v60, v51;
	v57 =	vmul.f32 v61, v51  }
0xc3: {  	v16 =	vadd.f32 v35, v16;
	s22 =	sshll.u32 s14, $0x5;
	s14 =	sadd.s32 s28, s21;
	v37 =	vmul.f32 v62, v51;
	v35 =	vmul.f32 v14, v51;
	v14 =	vld [tilespmem:s5+$0x0]  }
0xc4: {  	s4 =	sor.u32 s13, s4;
	s22 =	sadd.s32 s22, s18;
	v28 =	vmul.f32 v26, v51;
	v26 =	vmul.f32 v9, v51;
	v9 =	vld [tilespmem:s14+$0x0]  }
0xc5: {  	v34 =	vadd.f32 v18, v34;
	v21 =	vmul.f32 v6, v51;
	v40 =	vmul.f32 v50, v52;
	v50 =	vld [tilespmem:s4+$0x0];
	s12 =	sor.u32 $0x300, s22;
	s15 =	sadd.s32 $0x10, s22  }
0xc6: {  	v25 =	vadd.f32 v55, v25;
	v18 =	vmul.f32 v3, v51;
	v58 =	vmul.f32 v48, v52;
	v55 =	vld [tilespmem:s12+$0x4000];
	s16 =	sor.u32 $0x300, s15  }
0xc7: {  	v59 =	vmul.f32 v63, v52;
	v62 =	vmul.f32 v38, v52;
	s21 =	sor.u32 $0x380, s15;
	v60 =	vld [tilespmem:s16+$0x4000]  }
0xc8: {  	v63 =	vmul.f32 v43, v52;
	v47 =	vmul.f32 v45, v52;
	s22 =	sadd.s32 s13, s10;
	s10 =	sor.u32 $0x6080, s29;
	v0 =	vld [tilespmem:s21+$0x4000]  }
0xc9: {  	v45 =	vmul.f32 v46, v52;
	s15 =	sor.u32 s13, s10;
	v61 =	vmul.f32 v10, v52;
	v10 =	vld [tilespmem:s22+$0x0]  }
0xca: {  	v39 =	vmul.f32 v39, v52;
	s11 =	sor.u32 s28, s10;
	s12 =	sor.u32 $0x6100, s29;
	v19 =	vadd.f32 v59, v19;
	v2 =	vld [tilespmem:s15+$0x0];
	v38 =	vmul.f32 v14, v52  }
0xcb: {  	v24 =	vadd.f32 v62, v24;
	s14 =	sor.u32 s28, s12;
	s16 =	sor.u32 $0x6180, s29;
	v36 =	vmul.f32 v9, v52;
	v43 =	vmul.f32 v55, v52;
	v55 =	vld [tilespmem:s11+$0x0]  }
0xcc: {  	v41 =	vadd.f32 v63, v41;
	s21 =	sor.u32 s28, s16;
	v52 =	vld [tilespmem:s14+$0x0];
	v46 =	vmul.f32 v60, v51;
	v60 =	vmul.f32 v44, v11  }
0xcd: {  	v48 =	vmul.f32 v48, v11;
	s17 =	sor.u32 s13, s12;
	s22 =	sor.u32 $0x6200, s29;
	v44 =	vmul.f32 v0, v51;
	v0 =	vadd.f32 v58, v17;
	v58 =	vld [tilespmem:s21+$0x0]  }
0xce: {  	v19 =	vadd.f32 v54, v19;
	s11 =	sor.u32 s28, s22;
	v51 =	vld [tilespmem:s17+$0x0];
	v5 =	vadd.f32 v60, v5;
	v60 =	vmul.f32 v50, v10  }
0xcf: {  	s12 =	sor.u32 s13, s16;
	v24 =	vadd.f32 v57, v24;
	v4 =	vadd.f32 v48, v4;
	s14 =	sor.u32 $0x6280, s29;
	v59 =	vld [tilespmem:s11+$0x0]  }
0xd0: {  	p0 =	sne.s32 s25, $0x3E0;
	v23 =	vadd.f32 v61, v23;
	v48 =	vmul.f32 v49, v10;
	s16 =	sor.u32 s28, s14;
	v5 =	vadd.f32 v60, v5;
	v60 =	vld [tilespmem:s12+$0x0]  }
.Ltmp1:
0xd1: {  	s15 =	sor.u32 s13, s22;
	s17 =	sor.u32 $0x6300, s29;
	v49 =	vld [tilespmem:s16+$0x0];
	v17 =	vadd.f32 v53, v0;
	v50 =	vmul.f32 v55, v11;
	v0 =	vmul.f32 v52, v11;
	(pc) =	sbr.rel @p0 .LBB2_4-.Ltmp1, $4  }
0xd2: {  	v2 =	vmul.f32 v2, v10;
	s21 =	sor.u32 s28, s17;
	v4 =	vadd.f32 v48, v4;
	v48 =	vld [tilespmem:s15+$0x0];
	v62 =	vmul.f32 v58, v11  }
0xd3: {  	s5 =	sor.u32 s13, s14;
	v52 =	vld [tilespmem:s21+$0x0];
	v7 =	vadd.f32 v50, v7;
	v0 =	vadd.f32 v0, v8;
	v8 =	vmul.f32 v51, v10  }
0xd4: {  	s25 =	sadd.s32 $0x20, s25;
	s4 =	sor.u32 $0x6380, s29;
	v23 =	vadd.f32 v56, v23;
	s22 =	sor.u32 s13, s17;
	v53 =	vmul.f32 v59, v11;
	v50 =	vld [tilespmem:s5+$0x0];
	v42 =	vadd.f32 v62, v42  }
0xd5: {  	s3 =	sadd.s32 $0x20, s3;
	s18 =	sadd.s32 $0x100, s18;
	s5 =	sor.u32 s28, s4;
	v51 =	vld [tilespmem:s22+$0x0];
	v7 =	vadd.f32 v2, v7;
	v8 =	vadd.f32 v8, v0;
	v54 =	vmul.f32 v60, v10  }
0xd6: {  	v0 =	vadd.f32 v47, v20;
	v2 =	vmax.f32 v17, v19  }
0xd7: {  	v20 =	vadd.f32 v37, v41;
	v32 =	vadd.f32 v45, v32;
	v2 =	vmax.f32 v2, v23  }
0xd8: {  	v29 =	vadd.f32 v43, v29;
	v0 =	vadd.f32 v35, v0;
	v2 =	vmax.f32 v2, v24  }
0xd9: {  	v30 =	vadd.f32 v40, v30;
	v28 =	vadd.f32 v28, v32;
	v2 =	vmax.f32 v2, v20  }
0xda: {  	v31 =	vadd.f32 v39, v31;
	v29 =	vadd.f32 v46, v29;
	v2 =	vmax.f32 v2, v0  }
0xdb: {  	v38 =	vadd.f32 v38, v33;
	v30 =	vadd.f32 v44, v30;
	v2 =	vmax.f32 v2, v28  }
0xdc: {  	v26 =	vadd.f32 v26, v31;
	v31 =	vadd.f32 v36, v34;
	v2 =	vmax.f32 v2, v29  }
0xdd: {  	v21 =	vadd.f32 v21, v38;
	v2 =	vmax.f32 v2, v30  }
0xde: {  	v31 =	vadd.f32 v18, v31;
	v2 =	vmax.f32 v2, v26  }
0xdf: {  	v2 =	vmax.f32 v2, v21  }
0xe0: {  	v2 =	vmax.f32 v2, v31  }
0xe1: {  	v17 =	vsub.f32 v17, v2  }
0xe2: {  	v18 =	vsub.f32 v19, v2  }
0xe3: {  	v17 =	vmul.f32 $1.442695020e+00, v17  }
0xe4: {  	v19 =	vsub.f32 v23, v2;
	v18 =	vmul.f32 $1.442695020e+00, v18  }
0xe5: {  	(erf) = vpow2.f32 v17  }
0xe6: {  	v17 =	vmul.f32 $1.442695020e+00, v19;
	(erf) = vpow2.f32 v18;
	v18 =	vsub.f32 v24, v2  }
0xe7: {  	v14 =	vmul.f32 v14, v11  }
0xe8: {  	v24 =	vld [tilespmem:s5+$0x0];
	(erf) = vpow2.f32 v17;
	v17 =	vmul.f32 $1.442695020e+00, v18;
	v18 =	vsub.f32 v20, v2  }
0xe9: {  	v0 =	vsub.f32 v0, v2;
	v23 =	vmul.f32 v52, v11;
	v20 =	vmul.f32 v48, v10  }
0xea: {  	(erf) = vpow2.f32 v17;
	v17 =	vmul.f32 $1.442695020e+00, v18  }
0xeb: {  	v29 =	vsub.f32 v29, v2;
	v0 =	vmul.f32 $1.442695020e+00, v0;
	v19 =	vadd.f32 v53, v27  }
0xec: {  	v18 =	vmul.f32 v49, v11;
	(erf) = vpow2.f32 v17;
	v17 =	vsub.f32 v28, v2  }
0xed: {  	v39 =	vmul.f32 v24, v11;
	v28 =	vadd.f32 v20, v19;
	v19 =	vmul.f32 v50, v10  }
0xee: {  	v20 =	vpop (erf);
	(erf) = vpow2.f32 v0;
	v0 =	vmul.f32 $1.442695020e+00, v17  }
0xef: {  	v18 =	vadd.f32 v18, v25;
	v25 =	vmul.f32 $1.442695020e+00, v29;
	v17 =	vadd.f32 v23, v22;
	v22 =	vpop (erf)  }
0xf0: {  	(erf) = vpow2.f32 v0;
	v0 =	vsub.f32 v30, v2;
	v30 =	vadd.f32 v22, v20  }
0xf1: {  	v23 =	vmul.f32 v51, v10;
	v40 =	vadd.f32 v19, v18;
	v19 =	vsub.f32 v26, v2;
	v24 =	vpop (erf)  }
0xf2: {  	(erf) = vpow2.f32 v25;
	v0 =	vmul.f32 $1.442695020e+00, v0;
	v25 =	vadd.f32 v30, v24  }
0xf3: {  	s3 =	sor.u32 s13, s4;
	s14 =	rddreg [dreg:$0x7];
	v6 =	vmul.f32 v6, v10;
	v30 =	vadd.f32 v23, v17;
	v17 =	vsub.f32 v21, v2;
	v18 =	vpop (erf)  }
0xf4: {  	v29 =	vld [tilespmem:s3+$0x0];
	s3 =	sadd.s32 s29, s14;
	(erf) = vpow2.f32 v0;
	v0 =	vmul.f32 $1.442695020e+00, v19;
	v19 =	vadd.f32 v25, v18  }
0xf5: {  	v9 =	vmul.f32 v9, v11;
	s15 =	sadd.s32 s28, s3;
	s3 =	sadd.s32 s13, s3;
	v21 =	vadd.f32 v39, v16;
	v17 =	vmul.f32 $1.442695020e+00, v17;
	v16 =	vpop (erf)  }
0xf6: {  	v26 =	vld [tilespmem:s3+$0x0];
	(erf) = vpow2.f32 v0;
	v0 =	vsub.f32 v31, v2;
	v2 =	vadd.f32 v19, v16  }
0xf7: {  	v25 =	vld [tilespmem:s15+$0x0];
	v19 =	vadd.f32 v14, v15;
	v14 =	vpop (erf);
	(erf) = vpow2.f32 v17;
	v17 =	vmax.f32 v4, v5  }
0xf8: {  	v0 =	vmul.f32 $1.442695020e+00, v0;
	v2 =	vadd.f32 v2, v14;
	v17 =	vmax.f32 v17, v7  }
0xf9: {  	v3 =	vmul.f32 v3, v10;
	v9 =	vadd.f32 v9, v13;
	v27 =	vadd.f32 v54, v42;
	v15 =	vpop (erf)  }
0xfa: {  	(erf) = vpow2.f32 v0;
	v0 =	vadd.f32 v2, v15;
	v2 =	vmax.f32 v17, v8  }
0xfb: {  	v23 =	vmul.f32 v29, v10;
	v10 =	vmul.f32 v26, v10;
	v17 =	vpop (erf);
	v2 =	vmax.f32 v2, v27  }
0xfc: {  	v11 =	vmul.f32 v25, v11;
	v0 =	vadd.f32 v0, v17;
	v2 =	vmax.f32 v2, v28  }
0xfd: {  	v29 =	vadd.f32 v23, v21;
	v6 =	vadd.f32 v6, v19;
	v19 =	vpop (erf);
	v2 =	vmax.f32 v2, v40  }
0xfe: {  	v11 =	vadd.f32 v11, v12;
	v0 =	vadd.f32 v0, v19;
	v2 =	vmax.f32 v2, v30  }
0xff: {  	v3 =	vadd.f32 v3, v9;
	v21 =	vpop (erf);
	v2 =	vmax.f32 v2, v29  }
0x100: {  	v9 =	vadd.f32 v10, v11;
	v0 =	vadd.f32 v0, v21;
	v2 =	vmax.f32 v2, v6  }
0x101: {  	v23 =	vpop (erf);
	v2 =	vmax.f32 v2, v3  }
0x102: {  	v0 =	vadd.f32 v0, v23;
	v2 =	vmax.f32 v2, v9  }
0x103: {  	v25 =	vpop (erf);
	v4 =	vsub.f32 v4, v2  }
0x104: {  	v5 =	vsub.f32 v5, v2;
	v0 =	vadd.f32 v0, v25  }
0x105: {  	v4 =	vmul.f32 $1.442695020e+00, v4  }
0x106: {  	(erf) = vrcp.f32 v0;
	v0 =	vmul.f32 $1.442695020e+00, v5;
	v5 =	vsub.f32 v7, v2  }
0x107: {  	(erf) = vpow2.f32 v4  }
0x108: {  	v4 =	vsub.f32 v8, v2;
	(erf) = vpow2.f32 v0;
	v0 =	vmul.f32 $1.442695020e+00, v5;
	_ =	sdelay $0x1  }
0x109: {  	(erf) = vpow2.f32 v0;
	v0 =	vmul.f32 $1.442695020e+00, v4;
	v4 =	vsub.f32 v27, v2;
	_ =	sdelay $0x1  }
0x10a: {  	(erf) = vpow2.f32 v0;
	v0 =	vmul.f32 $1.442695020e+00, v4;
	v4 =	vsub.f32 v28, v2  }
0x10b: {  	v5 =	vsub.f32 v40, v2  }
0x10c: {  	(erf) = vpow2.f32 v0;
	v0 =	vmul.f32 $1.442695020e+00, v4  }
0x10d: {  	v4 =	vmul.f32 $1.442695020e+00, v5;
	v26 =	vpop (erf)  }
0x10e: {  	v7 =	vpop (erf);
	(erf) = vpow2.f32 v0;
	v0 =	vsub.f32 v30, v2  }
0x10f: {  	v8 =	vpop (erf);
	(erf) = vpow2.f32 v4  }
0x110: {  	v4 =	vsub.f32 v29, v2;
	v0 =	vmul.f32 $1.442695020e+00, v0;
	v5 =	vadd.f32 v8, v7  }
0x111: {  	v6 =	vsub.f32 v6, v2;
	v10 =	vpop (erf)  }
0x112: {  	(erf) = vpow2.f32 v0;
	v0 =	vmul.f32 $1.442695020e+00, v4;
	v4 =	vadd.f32 v5, v10  }
0x113: {  	v5 =	vmul.f32 $1.442695020e+00, v6;
	v11 =	vpop (erf)  }
0x114: {  	(erf) = vpow2.f32 v0;
	v0 =	vsub.f32 v3, v2;
	v3 =	vadd.f32 v4, v11  }
0x115: {  	v2 =	vsub.f32 v9, v2;
	v12 =	vpop (erf)  }
0x116: {  	(erf) = vpow2.f32 v5;
	v0 =	vmul.f32 $1.442695020e+00, v0;
	v3 =	vadd.f32 v3, v12  }
0x117: {  	v41 =	vpop (erf)  }
0x118: {  	(erf) = vpow2.f32 v0;
	v0 =	vmul.f32 $1.442695020e+00, v2;
	v2 =	vadd.f32 v3, v41  }
0x119: {  	v42 =	vpop (erf)  }
0x11a: {  	(erf) = vpow2.f32 v0;
	v0 =	vadd.f32 v2, v42  }
0x11b: {  	v43 =	vpop (erf)  }
0x11c: {  	v0 =	vadd.f32 v0, v43  }
0x11d: {  	v31 =	vpop (erf)  }
0x11e: {  	v0 =	vadd.f32 v0, v31  }
0x11f: {  	v30 =	vpop (erf)  }
0x120: {  	v0 =	vadd.f32 v0, v30  }
0x121: {  	v29 =	vpop (erf)  }
0x122: {  	v0 =	vadd.f32 v0, v29  }
0x123: {  	v27 =	vpop (erf)  }
0x124: {  	v0 =	vadd.f32 v0, v27;
	_ =	sdelay $0x1  }
0x125: {  	(erf) = vrcp.f32 v0;
	_ =	sdelay $0x7  }
0x126: {  	p0 =	sne.s32 s30, $0x0  }
0x127: {  	s3 =	simm.s32 @!p0 $0x3;
	v28 =	vpop (erf)  }
0x128: {  	_ =	swait.ge @!p0 [sflag:s3], $0x8000  }
0x129: {  	[sflag:s3] =	ssyncset.done @!p0 $0x0  }
0x12a: {  	s16 =	simm.s32 $0x2;
	[sflag:s3] =	ssyncadd.s32 @!p0 $0xFFFF8000;
	p0 =	slt.s32 s0, $0x3E  }
0x12b: {  	_ =	swait.ge [sflag:s16], $0x4000;
	s0 =	simm.s32 @!p0 $0x3E  }
0x12c: {  	[sflag:s16] =	ssyncset.done $0x0;
	s0 =	sshll.u32 s0, $0x7  }
0x12d: {  	[sflag:s16] =	ssyncadd.s32 $0xFFFFC000;
	s0 =	sand.u32 $0x3FFFFF80, s0  }
0x12e: {  	v0 =	vld [tilespmem:s0+$0x80];
	_ =	sdelay $0x2  }
0x12f: {  	v37 =	vld [tilespmem:$0x1FFE0];
	_ =	sdelay $0x1  }
0x130: {  	v2 =	vshll.u32 v0, $0x3  }
0x131: {  	v0 =	vand.u32 $0x7, v0;
	v2 =	vand.u32 $0xFFFFFFC0, v2  }
0x132: {  	v0 =	vor.u32 v0, v2  }
0x133: {  	v2 =	vperm.xlane v0, v37;
	_ =	sdelay $0x1  }
0x134: {  	v2 =	vadd.s32 v1, v2  }
0x135: {  	v38 =	vld [tilespmem:$0x1FFF0];
	_ =	sdelay $0x2  }
0x136: {  	s18 =	simm.s32 $0x4000;
	s17 =	rddreg [dreg:$0xd];
	s0 =	simm.s32 $0x0  }
0x137: {  	[tilespmem:s18], [sflag:$0x1] =	stream.indirect_vreg.gather [hbm4b:s17+s0], $0x80, v2, vm0, $0xb8;
	[tilespmem:$0x1E800] =	vst v63  }
0x138: {  	s22 =	simm.s32 $0x4800;
	s21 =	rddreg [dreg:$0x13];
	v0 =	vperm.xlane v0, v38  }
0x139: {  	[tilespmem:s22], [sflag:$0x1] =	stream.indirect_vreg.gather [hbm4b:s21+s0], $0x80, v2, vm0, $0xb8;
	[tilespmem:$0x1E800] =	vst v63  }
0x13a: {  	s7 =	simm.s32 $0x5000;
	s25 =	rddreg [dreg:$0x14];
	v0 =	vadd.s32 v1, v0  }
0x13b: {  	[tilespmem:s7], [sflag:$0x1] =	stream.indirect_vreg.gather [hbm4b:s25+s0], $0x80, v2, vm0, $0xb8;
	[tilespmem:$0x1E800] =	vst v63  }
0x13c: {  	s10 =	simm.s32 $0x5800;
	s26 =	rddreg [dreg:$0x15]  }
0x13d: {  	[tilespmem:s10], [sflag:$0x1] =	stream.indirect_vreg.gather [hbm4b:s26+s0], $0x80, v2, vm0, $0xb8;
	[tilespmem:$0x1E800] =	vst v63  }
0x13e: {  	s28 =	simm.s32 $0x6000  }
0x13f: {  	[tilespmem:s28], [sflag:$0x1] =	stream.indirect_vreg.gather [hbm4b:s17+s0], $0x80, v0, vm0, $0xb8;
	[tilespmem:$0x1E800] =	vst v63  }
0x140: {  	s29 =	simm.s32 $0x6800  }
0x141: {  	[tilespmem:s29], [sflag:$0x1] =	stream.indirect_vreg.gather [hbm4b:s21+s0], $0x80, v0, vm0, $0xb8;
	[tilespmem:$0x1E800] =	vst v63  }
0x142: {  	s4 =	simm.s32 $0x7000  }
0x143: {  	[tilespmem:s4], [sflag:$0x1] =	stream.indirect_vreg.gather [hbm4b:s25+s0], $0x80, v0, vm0, $0xb8;
	[tilespmem:$0x1E800] =	vst v63  }
0x144: {  	s10 =	simm.s32 $0x7800;
	s29 =	sand.u32 $0x1C00, s0  }
0x145: {  	[tilespmem:s10], [sflag:$0x1] =	stream.indirect_vreg.gather [hbm4b:s26+s0], $0x80, v0, vm0, $0xb8;
	[tilespmem:$0x1E800] =	vst v63  }
0x146: {  	s13 =	simm.s32 $0x1C400;
	s3 =	sor.u32 $0x8000, s29;
	s26 =	sand.u32 $0x60, s0  }
0x147: {  	s18 =	sor.u32 $0xA000, s29;
	s4 =	sor.u32 s26, s3;
	v0 =	vld [tilespmem:s13+$0x0]  }
0x148: {  	s11 =	sor.u32 s26, s18;
	v2 =	vld [tilespmem:s4+$0x0]  }
0x149: {  	s25 =	sor.u32 $0xA080, s29;
	v9 =	vld [tilespmem:s11+$0x0]  }
0x14a: {  	v4 =	vmul.f32 v26, v22;
	v5 =	vmul.f32 v26, v24;
	s12 =	sor.u32 s26, s25;
	v13 =	vld [tilespmem:s4+$0x80]  }
0x14b: {  	v3 =	vmul.f32 v26, v20;
	v6 =	vmul.f32 v28, v7;
	s28 =	sor.u32 $0xA100, s29;
	v20 =	vld [tilespmem:s12+$0x0]  }
0x14c: {  	s2 =	sadd.s32 s8, s2;
	v7 =	vmul.f32 v28, v8;
	v8 =	vmul.f32 v28, v10;
	s14 =	sor.u32 s26, s28;
	v22 =	vld [tilespmem:s4+$0x100]  }
0x14d: {  	s15 =	sadd.s32 $0x14000, s2;
	s2 =	sor.u32 $0xA180, s29;
	v24 =	vld [tilespmem:s14+$0x0];
	v10 =	vmul.f32 v0, v3;
	v2 =	vmul.f32 v2, v4  }
0x14e: {  	s16 =	sadd.s32 s24, s19;
	s19 =	sor.u32 s26, s2;
	v45 =	vld [tilespmem:s4+$0x180];
	v0 =	vmul.f32 v0, v6;
	v44 =	vmul.f32 v9, v7  }
0x14f: {  	[dreg:$0x8] =	wrdreg s15;
	s21 =	sadd.s32 s1, s9;
	s1 =	sor.u32 $0xA200, s29;
	v9 =	vmul.f32 v26, v18;
	v13 =	vmul.f32 v13, v5;
	v18 =	vld [tilespmem:s19+$0x0];
	v2 =	vadd.f32 v2, v10  }
0x150: {  	s24 =	sand.u32 $0x3, s0;
	s17 =	sadd.s32 $0x14000, s16;
	s22 =	sor.u32 s26, s1;
	v46 =	vld [tilespmem:s4+$0x200];
	v20 =	vmul.f32 v20, v8;
	v10 =	vmul.f32 v28, v11;
	v0 =	vadd.f32 v44, v0  }
0x151: {  	s9 =	sshll.u32 s24, $0x5;
	s5 =	sadd.s32 $0x14000, s21;
	s7 =	sor.u32 $0xA280, s29;
	v11 =	vmul.f32 v26, v16;
	v16 =	vmul.f32 v22, v9;
	v22 =	vld [tilespmem:s22+$0x0];
	v2 =	vadd.f32 v13, v2  }
0x152: {  	v12 =	vmul.f32 v28, v12;
	[dreg:$0xa] =	wrdreg s5;
	s11 =	sor.u32 s26, s7;
	v0 =	vadd.f32 v20, v0;
	v20 =	vmul.f32 v24, v10;
	v24 =	vld [tilespmem:s4+$0x280];
	s4 =	sadd.s32 $0x0, s9  }
0x153: {  	s10 =	sadd.s32 s6, s20;
	s6 =	sor.u32 $0xA300, s29;
	v47 =	vld [tilespmem:s11+$0x0];
	v13 =	vmul.f32 v26, v14;
	s5 =	sor.u32 $0x300, s4;
	v2 =	vadd.f32 v16, v2;
	v16 =	vmul.f32 v45, v11  }
0x154: {  	[dreg:$0x9] =	wrdreg s17;
	s14 =	sor.u32 s26, s6;
	s11 =	sor.u32 s0, s0;
	v14 =	vmul.f32 v28, v41;
	v18 =	vmul.f32 v18, v12;
	v0 =	vadd.f32 v20, v0;
	v20 =	vld [tilespmem:s5+$0x8000]  }
0x155: {  	v15 =	vmul.f32 v26, v15;
	s12 =	rddreg [dreg:$0x8];
	v49 =	vld [tilespmem:s14+$0x0];
	s16 =	sor.u32 $0x380, s11;
	s5 =	sor.u32 $0xA380, s29;
	v48 =	vmul.f32 v46, v13;
	v2 =	vadd.f32 v16, v2  }
0x156: {  	s17 =	rddreg [dreg:$0x9];
	s8 =	sadd.s32 s29, s12;
	v50 =	vld [tilespmem:s16+$0x8000];
	s20 =	sor.u32 s26, s5;
	v22 =	vmul.f32 v22, v14;
	v16 =	vmul.f32 v28, v42;
	v0 =	vadd.f32 v18, v0  }
0x157: {  	v17 =	vmul.f32 v26, v17;
	s22 =	sadd.s32 s26, s8;
	s9 =	sadd.s32 s29, s17;
	v51 =	vld [tilespmem:s20+$0x0];
	v24 =	vmul.f32 v24, v15;
	v2 =	vadd.f32 v48, v2  }
0x158: {  	s21 =	rddreg [dreg:$0xa];
	s15 =	sadd.s32 $0x14000, s10;
	v52 =	vld [tilespmem:s22+$0x0];
	s24 =	sadd.s32 s26, s9;
	v18 =	vmul.f32 v28, v43;
	v0 =	vadd.f32 v22, v0;
	v22 =	vmul.f32 v47, v16  }
0x159: {  	v19 =	vmul.f32 v26, v19;
	[dreg:$0xb] =	wrdreg s15;
	s17 =	sadd.s32 s29, s21;
	v53 =	vld [tilespmem:s24+$0x0];
	v2 =	vadd.f32 v24, v2;
	v24 =	vmul.f32 v20, v17  }
0x15a: {  	s19 =	rddreg [dreg:$0xb];
	s12 =	sadd.s32 s26, s17;
	v20 =	vmul.f32 v28, v31;
	v0 =	vadd.f32 v22, v0;
	v31 =	vmul.f32 v49, v18  }
0x15b: {  	v21 =	vmul.f32 v26, v21;
	s10 =	sadd.s32 s29, s19;
	v54 =	vld [tilespmem:s12+$0x0];
	v2 =	vadd.f32 v24, v2;
	v24 =	vmul.f32 v50, v19  }
0x15c: {  	s14 =	sadd.s32 s26, s10;
	v22 =	vmul.f32 v28, v30;
	v0 =	vadd.f32 v31, v0;
	v30 =	vmul.f32 v51, v20  }
0x15d: {  	v23 =	vmul.f32 v26, v23;
	v55 =	vld [tilespmem:s14+$0x0];
	v31 =	vmul.f32 v52, v21;
	v2 =	vadd.f32 v24, v2  }
0x15e: {  	v24 =	vmul.f32 v28, v29;
	v0 =	vadd.f32 v30, v0;
	v29 =	vmul.f32 v53, v22  }
0x15f: {  	v25 =	vmul.f32 v26, v25;
	v30 =	vmul.f32 v53, v23;
	v2 =	vadd.f32 v31, v2  }
0x160: {  	s15 =	sor.u32 $0x1C800, s31;
	v26 =	vmul.f32 v28, v27;
	v0 =	vadd.f32 v29, v0;
	v27 =	vmul.f32 v54, v24  }
0x161: {  	[dreg:$0xc] =	wrdreg s15;
	v28 =	vmul.f32 v54, v25;
	v2 =	vadd.f32 v30, v2  }
0x162: {  	s11 =	rddreg [dreg:$0xc];
	v0 =	vadd.f32 v27, v0;
	v27 =	vmul.f32 v55, v26  }
0x163: {  	s19 =	sadd.s32 s29, s11;
	v2 =	vadd.f32 v28, v2  }
0x164: {  	s11 =	sadd.s32 s26, s19;
	s20 =	sadd.s32 $0x80, s19;
	v0 =	vadd.f32 v27, v0  }
0x165: {  	s22 =	sand.u32 $0x380, s0;
	s21 =	sor.u32 $0x10, s26;
	s16 =	sadd.s32 s26, s20;
	[tilespmem:s11+$0x0] =	vst v2  }
0x166: {  	s24 =	sor.u32 s21, s22;
	[tilespmem:s16+$0x0] =	vst v0  }
0x167: {  	s3 =	sor.u32 s21, s3;
	v0 =	vld [tilespmem:s24+$0x1C400]  }
0x168: {  	s26 =	sor.u32 s21, s18;
	v2 =	vld [tilespmem:s3+$0x0]  }
0x169: {  	v27 =	vld [tilespmem:s26+$0x0]  }
0x16a: {  	s29 =	sor.u32 s21, s25;
	v28 =	vld [tilespmem:s3+$0x80]  }
0x16b: {  	v29 =	vld [tilespmem:s29+$0x0]  }
0x16c: {  	s12 =	sor.u32 s21, s28;
	v30 =	vld [tilespmem:s3+$0x100]  }
0x16d: {  	v31 =	vld [tilespmem:s12+$0x0];
	v56 =	vmul.f32 v0, v3;
	v2 =	vmul.f32 v2, v4  }
0x16e: {  	s2 =	sor.u32 s21, s2;
	v57 =	vld [tilespmem:s3+$0x180];
	v0 =	vmul.f32 v0, v6;
	v27 =	vmul.f32 v27, v7  }
0x16f: {  	v58 =	vld [tilespmem:s2+$0x0];
	v28 =	vmul.f32 v28, v5;
	v2 =	vadd.f32 v2, v56  }
0x170: {  	s1 =	sor.u32 s21, s1;
	v0 =	vadd.f32 v27, v0;
	v27 =	vmul.f32 v29, v8;
	v29 =	vld [tilespmem:s3+$0x200]  }
0x171: {  	v59 =	vld [tilespmem:s1+$0x0];
	v2 =	vadd.f32 v28, v2;
	v28 =	vmul.f32 v30, v9  }
0x172: {  	s14 =	sor.u32 s21, s7;
	s15 =	sadd.s32 $0x10, s4;
	v30 =	vld [tilespmem:s3+$0x280];
	v0 =	vadd.f32 v27, v0;
	v27 =	vmul.f32 v31, v10  }
0x173: {  	s16 =	sor.u32 $0x300, s15;
	v31 =	vld [tilespmem:s14+$0x0];
	v2 =	vadd.f32 v28, v2;
	v28 =	vmul.f32 v57, v11  }
0x174: {  	s18 =	sor.u32 s21, s6;
	v60 =	vld [tilespmem:s16+$0x8000];
	v0 =	vadd.f32 v27, v0;
	v27 =	vmul.f32 v58, v12  }
0x175: {  	s22 =	sor.u32 $0x380, s15;
	v61 =	vld [tilespmem:s18+$0x0];
	v2 =	vadd.f32 v28, v2;
	v28 =	vmul.f32 v29, v13  }
0x176: {  	s24 =	sor.u32 s21, s5;
	v29 =	vld [tilespmem:s22+$0x8000];
	v0 =	vadd.f32 v27, v0;
	v27 =	vmul.f32 v59, v14  }
0x177: {  	s25 =	sadd.s32 s21, s8;
	v62 =	vld [tilespmem:s24+$0x0];
	v2 =	vadd.f32 v28, v2;
	v28 =	vmul.f32 v30, v15  }
0x178: {  	v30 =	vld [tilespmem:s25+$0x0];
	v0 =	vadd.f32 v27, v0;
	v27 =	vmul.f32 v31, v16  }
0x179: {  	s26 =	sadd.s32 s21, s9;
	v2 =	vadd.f32 v28, v2;
	v28 =	vmul.f32 v60, v17  }
0x17a: {  	s28 =	sadd.s32 s21, s17;
	v31 =	vld [tilespmem:s26+$0x0];
	v0 =	vadd.f32 v27, v0;
	v27 =	vmul.f32 v61, v18  }
0x17b: {  	v63 =	vld [tilespmem:s28+$0x0];
	v2 =	vadd.f32 v28, v2;
	v28 =	vmul.f32 v29, v19  }
0x17c: {  	v0 =	vadd.f32 v27, v0;
	v27 =	vmul.f32 v62, v20  }
0x17d: {  	v2 =	vadd.f32 v28, v2;
	v28 =	vmul.f32 v30, v21  }
0x17e: {  	v0 =	vadd.f32 v27, v0  }
0x17f: {  	v27 =	vmul.f32 v31, v22;
	v2 =	vadd.f32 v28, v2;
	v28 =	vmul.f32 v31, v23  }
0x180: {  	s31 =	sadd.s32 s21, s19;
	s29 =	sadd.s32 s21, s10;
	v30 =	vmul.f32 v63, v25  }
0x181: {  	s1 =	simm.s32 $0x20;
	s2 =	simm.s32 $0x0;
	s22 =	sadd.s32 s21, s20;
	v29 =	vadd.f32 v27, v0;
	v27 =	vld [tilespmem:s29+$0x0];
	v31 =	vmul.f32 v63, v24;
	v28 =	vadd.f32 v28, v2  }
.LBB2_6:
0x182: {  	_ =	sdelay $0x3  }
0x183: {  	v0 =	vadd.f32 v31, v29;
	v2 =	vmul.f32 v27, v26  }
0x184: {  	v27 =	vadd.f32 v30, v28  }
0x185: {  	s0 =	sadd.s32 $0x100, s0;
	v0 =	vadd.f32 v2, v0  }
0x186: {  	s6 =	smov.u32 s1;
	s20 =	sand.u32 $0x1C00, s0;
	[tilespmem:s31+$0x0] =	vst v27  }
0x187: {  	s13 =	sadd.s32 $0x20, s13;
	s19 =	sand.u32 $0x60, s6;
	s8 =	sor.u32 $0x8000, s20;
	[tilespmem:s22+$0x0] =	vst v0  }
0x188: {  	s3 =	sor.u32 $0xA000, s20;
	s5 =	sor.u32 s19, s8;
	v0 =	vld [tilespmem:s13+$0x0]  }
0x189: {  	s4 =	sor.u32 s19, s3;
	v2 =	vld [tilespmem:s5+$0x0]  }
0x18a: {  	s9 =	sor.u32 $0xA080, s20;
	v27 =	vld [tilespmem:s4+$0x0]  }
0x18b: {  	s7 =	sor.u32 s19, s9;
	v28 =	vld [tilespmem:s5+$0x80]  }
0x18c: {  	s10 =	sor.u32 $0xA100, s20;
	v29 =	vld [tilespmem:s7+$0x0]  }
0x18d: {  	s17 =	sor.u32 s19, s10;
	v30 =	vld [tilespmem:s5+$0x100]  }
0x18e: {  	s11 =	sor.u32 $0xA180, s20;
	v32 =	vld [tilespmem:s17+$0x0];
	v31 =	vmul.f32 v0, v3;
	v2 =	vmul.f32 v2, v4  }
0x18f: {  	s2 =	sadd.s32 $0x1, s2;
	s22 =	sor.u32 s19, s11;
	v33 =	vld [tilespmem:s5+$0x180];
	v0 =	vmul.f32 v0, v6;
	v27 =	vmul.f32 v27, v7  }
0x190: {  	s18 =	sor.u32 $0xA200, s20;
	s12 =	sor.u32 $0xA300, s20;
	s16 =	sor.u32 $0xA380, s20;
	v28 =	vmul.f32 v28, v5;
	v2 =	vadd.f32 v2, v31;
	v31 =	vld [tilespmem:s22+$0x0]  }
0x191: {  	s29 =	sor.u32 s19, s18;
	s7 =	sor.u32 $0x10, s19;
	s22 =	sand.u32 $0x3, s2;
	v0 =	vadd.f32 v27, v0;
	v27 =	vmul.f32 v29, v8;
	v29 =	vld [tilespmem:s5+$0x200]  }
0x192: {  	s31 =	sor.u32 $0xA280, s20;
	s26 =	sor.u32 s7, s10;
	s10 =	sshll.u32 s22, $0x5;
	v2 =	vadd.f32 v28, v2;
	v28 =	vmul.f32 v30, v9;
	v30 =	vld [tilespmem:s29+$0x0]  }
0x193: {  	s14 =	sor.u32 s19, s31;
	v54 =	vld [tilespmem:s5+$0x280];
	s25 =	sor.u32 s7, s11;
	v0 =	vadd.f32 v27, v0;
	v27 =	vmul.f32 v32, v10;
	s11 =	sadd.s32 s10, s0  }
0x194: {  	s15 =	sor.u32 s19, s12;
	s4 =	sor.u32 s19, s16;
	v55 =	vld [tilespmem:s14+$0x0];
	s10 =	sor.u32 $0x300, s11;
	v2 =	vadd.f32 v28, v2;
	v28 =	vmul.f32 v33, v11  }
0x195: {  	s14 =	sor.u32 s0, s6;
	s21 =	sor.u32 s7, s3;
	s28 =	sor.u32 s7, s9;
	v0 =	vadd.f32 v27, v0;
	v27 =	vmul.f32 v31, v12;
	v31 =	vld [tilespmem:s10+$0x8000]  }
0x196: {  	s9 =	sor.u32 s7, s12;
	s12 =	rddreg [dreg:$0x8];
	s5 =	sor.u32 $0x380, s14;
	v2 =	vadd.f32 v28, v2;
	v28 =	vmul.f32 v29, v13;
	v29 =	vld [tilespmem:s15+$0x0]  }
0x197: {  	s3 =	sor.u32 s7, s16;
	s16 =	rddreg [dreg:$0x9];
	s17 =	sadd.s32 s20, s12;
	v0 =	vadd.f32 v27, v0;
	v27 =	vmul.f32 v30, v14;
	v30 =	vld [tilespmem:s5+$0x8000]  }
0x198: {  	v56 =	vld [tilespmem:s4+$0x0];
	s12 =	sadd.s32 s19, s17;
	s10 =	sadd.s32 s20, s16;
	v2 =	vadd.f32 v28, v2;
	v28 =	vmul.f32 v54, v15  }
0x199: {  	v57 =	vld [tilespmem:s12+$0x0];
	s22 =	rddreg [dreg:$0xa];
	s14 =	sadd.s32 s19, s10;
	v0 =	vadd.f32 v27, v0;
	v27 =	vmul.f32 v55, v16  }
0x19a: {  	s16 =	sadd.s32 s20, s22;
	v2 =	vadd.f32 v28, v2;
	v28 =	vmul.f32 v31, v17;
	v31 =	vld [tilespmem:s14+$0x0]  }
0x19b: {  	s15 =	rddreg [dreg:$0xb];
	s22 =	sadd.s32 s19, s16;
	v0 =	vadd.f32 v27, v0;
	v27 =	vmul.f32 v29, v18  }
0x19c: {  	s29 =	sadd.s32 $0x10, s11;
	s11 =	sadd.s32 s20, s15;
	v29 =	vld [tilespmem:s22+$0x0];
	v2 =	vadd.f32 v28, v2;
	v28 =	vmul.f32 v30, v19  }
0x19d: {  	s12 =	sadd.s32 s19, s11;
	v0 =	vadd.f32 v27, v0;
	v27 =	vmul.f32 v56, v20  }
0x19e: {  	v30 =	vld [tilespmem:s12+$0x0];
	v2 =	vadd.f32 v28, v2;
	v28 =	vmul.f32 v57, v21  }
0x19f: {  	v0 =	vadd.f32 v27, v0;
	v27 =	vmul.f32 v31, v22  }
0x1a0: {  	v2 =	vadd.f32 v28, v2;
	v28 =	vmul.f32 v31, v23  }
0x1a1: {  	v0 =	vadd.f32 v27, v0;
	v27 =	vmul.f32 v29, v24  }
0x1a2: {  	v2 =	vadd.f32 v28, v2;
	v28 =	vmul.f32 v29, v25  }
0x1a3: {  	s14 =	rddreg [dreg:$0xc];
	v0 =	vadd.f32 v27, v0;
	v27 =	vmul.f32 v30, v26  }
0x1a4: {  	s4 =	sadd.s32 s7, s10;
	s10 =	sadd.s32 s7, s11;
	s11 =	sadd.s32 s20, s14;
	v2 =	vadd.f32 v28, v2  }
0x1a5: {  	s5 =	sadd.s32 s7, s16;
	s15 =	sadd.s32 s19, s11;
	s16 =	sadd.s32 $0x80, s11;
	v0 =	vadd.f32 v27, v0  }
0x1a6: {  	s6 =	sand.u32 $0x380, s6;
	s19 =	sadd.s32 s19, s16;
	[tilespmem:s15+$0x0] =	vst v2  }
0x1a7: {  	s6 =	sor.u32 s7, s6;
	[tilespmem:s19+$0x0] =	vst v0  }
0x1a8: {  	s20 =	sor.u32 s7, s8;
	v0 =	vld [tilespmem:s6+$0x1C400]  }
0x1a9: {  	v2 =	vld [tilespmem:s20+$0x0]  }
0x1aa: {  	v27 =	vld [tilespmem:s21+$0x0]  }
0x1ab: {  	v28 =	vld [tilespmem:s20+$0x80]  }
0x1ac: {  	v29 =	vld [tilespmem:s28+$0x0]  }
0x1ad: {  	v31 =	vld [tilespmem:s20+$0x100]  }
0x1ae: {  	v58 =	vld [tilespmem:s26+$0x0];
	v30 =	vmul.f32 v0, v3;
	v2 =	vmul.f32 v2, v4  }
0x1af: {  	v59 =	vld [tilespmem:s20+$0x180];
	v0 =	vmul.f32 v0, v6;
	v27 =	vmul.f32 v27, v7  }
0x1b0: {  	v28 =	vmul.f32 v28, v5;
	v2 =	vadd.f32 v2, v30;
	v30 =	vld [tilespmem:s25+$0x0]  }
0x1b1: {  	s24 =	sor.u32 s7, s18;
	v0 =	vadd.f32 v27, v0;
	v27 =	vmul.f32 v29, v8;
	v29 =	vld [tilespmem:s20+$0x200]  }
0x1b2: {  	v2 =	vadd.f32 v28, v2;
	v28 =	vmul.f32 v31, v9;
	v31 =	vld [tilespmem:s24+$0x0]  }
0x1b3: {  	s18 =	sor.u32 s7, s31;
	v60 =	vld [tilespmem:s20+$0x280];
	v0 =	vadd.f32 v27, v0;
	v27 =	vmul.f32 v58, v10  }
0x1b4: {  	v61 =	vld [tilespmem:s18+$0x0];
	s28 =	sor.u32 $0x300, s29;
	v2 =	vadd.f32 v28, v2;
	v28 =	vmul.f32 v59, v11  }
0x1b5: {  	v0 =	vadd.f32 v27, v0;
	v27 =	vmul.f32 v30, v12;
	v30 =	vld [tilespmem:s28+$0x8000]  }
0x1b6: {  	s29 =	sor.u32 $0x380, s29;
	v2 =	vadd.f32 v28, v2;
	v28 =	vmul.f32 v29, v13;
	v29 =	vld [tilespmem:s9+$0x0]  }
0x1b7: {  	v0 =	vadd.f32 v27, v0;
	v27 =	vmul.f32 v31, v14;
	v31 =	vld [tilespmem:s29+$0x8000]  }
0x1b8: {  	s17 =	sadd.s32 s7, s17;
	v62 =	vld [tilespmem:s3+$0x0];
	v2 =	vadd.f32 v28, v2;
	v28 =	vmul.f32 v60, v15  }
0x1b9: {  	v63 =	vld [tilespmem:s17+$0x0];
	v0 =	vadd.f32 v27, v0;
	v27 =	vmul.f32 v61, v16  }
0x1ba: {  	v2 =	vadd.f32 v28, v2;
	v28 =	vmul.f32 v30, v17  }
0x1bb: {  	v30 =	vld [tilespmem:s4+$0x0];
	v0 =	vadd.f32 v27, v0;
	v27 =	vmul.f32 v29, v18  }
0x1bc: {  	v34 =	vld [tilespmem:s5+$0x0];
	v2 =	vadd.f32 v28, v2;
	v28 =	vmul.f32 v31, v19  }
0x1bd: {  	p0 =	sne.s32 s1, $0x3E0;
	v29 =	vmul.f32 v62, v20;
	v0 =	vadd.f32 v27, v0  }
.Ltmp2:
0x1be: {  	v2 =	vadd.f32 v28, v2;
	v28 =	vmul.f32 v63, v21;
	(pc) =	sbr.rel @p0 .LBB2_6-.Ltmp2, $4  }
0x1bf: {  	v0 =	vadd.f32 v29, v0  }
0x1c0: {  	v29 =	vmul.f32 v30, v22;
	v2 =	vadd.f32 v28, v2;
	v28 =	vmul.f32 v30, v23  }
0x1c1: {  	v31 =	vmul.f32 v34, v24  }
0x1c2: {  	s1 =	sadd.s32 $0x20, s1;
	s31 =	sadd.s32 s7, s11;
	s22 =	sadd.s32 s7, s16;
	v27 =	vld [tilespmem:s10+$0x0];
	v30 =	vmul.f32 v34, v25;
	v29 =	vadd.f32 v29, v0;
	v28 =	vadd.f32 v28, v2  }
0x1c3: {  	_ =	sdelay $0x2  }
0x1c4: {  	p0 =	seq.s32 s30, $0x3  }
.Ltmp3:
0x1c5: {  	v0 =	vadd.f32 v31, v29;
	v2 =	vmul.f32 v27, v26;
	(pc) =	sbr.rel @p0 .LBB2_12-.Ltmp3, $4  }
0x1c6: {  	v3 =	vadd.f32 v30, v28  }
0x1c7: {  	v0 =	vadd.f32 v2, v0  }
0x1c8: {  	[tilespmem:s31+$0x0] =	vst v3  }
0x1c9: {  	[tilespmem:s22+$0x0] =	vst v0  }
0x1ca: {  	p0 =	seq.s32 s30, $0x7  }
.Ltmp4:
0x1cb: {  	_ = 	snop;
	(pc) =	sbr.rel @!p0 .LBB2_13-.Ltmp4, $1  }
0x1cc: {  	_ =	sdelay $0x3  }
0x1cd: {  	s2 =	sld [smem:$0x7FB];
	_ =	sdelay $0x1  }
0x1ce: {  	s0 =	simm.s32 $0x0;
	s1 =	simm.s32 $0x1C800;
	s5 =	simm.s32 $0x4  }
0x1cf: {  	[hbm4b:s2+s0] =	stream.linear.scatter [tilespmem:s1], [sflag:$0x4], $0x2000, $0x38;
	[tilespmem:$0x1E800] =	vst v63  }
0x1d0: {  	_ =	swait.ge [sflag:s5], $0x2000  }
0x1d1: {  	s6 =	rddreg [dreg:$0x1e]  }
0x1d2: {  	s6 =	sadd.s32 $0x1, s6  }
0x1d3: {  	p0 =	sne.s32 s6, $0x8  }
.Ltmp5:
0x1d4: {  	_ = 	snop;
	(pc) =	sbr.rel @p0 .LBB2_2-.Ltmp5, $3  }
0x1d5: {  	_ =	sdelay $0x1  }
0x1d6: {  	[sflag:s5] =	ssyncset.done $0x0  }
0x1d7: {  	[sflag:s5] =	ssyncadd.s32 $0xFFFFE000  }
0x1d8: {  	s1 =	simm.s32 $0x1  }
0x1d9: {  	_ =	swait.ge [sflag:s1], $0x4000  }
0x1da: {  	s2 =	rddreg [dreg:$0x1d]  }
0x1db: {  	s0 =	rddreg [dreg:$0x1c];
	s2 =	sadd.s32 $0x1, s2  }
0x1dc: {  	p0 =	sne.s32 s2, s0  }
.Ltmp6:
0x1dd: {  	_ = 	snop;
	(pc) =	sbr.rel @p0 .LBB2_1-.Ltmp6, $3  }
0x1de: {  	_ =	sdelay $0x1  }
0x1df: {  	[sflag:s1] =	ssyncset.done $0x0  }
0x1e0: {  	[sflag:s1] =	ssyncadd.s32 $0xFFFFC000  }
0x1e1: {  	_ =	sfence.sel $0x180000  }
0x1e2: {  	[bflag:$0x0] =	sbarrier.arrive $0xFFFF  }
0x1e3: {  	_ =	strace $0x90000047  }
0x1e4: {  	s0 =	stileid.u32;
	[bflag:$0x2] =	sbarrier.arrive $0xFFFF  }
0x1e5: {  	p0 =	sne.s32 s0, $0x0;
	s0 =	rddreg [dreg:$0x2]  }
0x1e6: {  	s0 =	sadd.s32 @!p0 $0x100000, s0  }
0x1e7: {  	[sflag:s0] =	ssyncadd.tile.s32 @!p0 $0x1;
	_ =	shalt  }
.Lfunc_end2:
_tile_overlayer_lowered:
.L_overlay_start_2:
0x1e8: {  	(tag) =	ssettag $0x2  }
0x1e9: {  	s0 =	rddreg [dreg:$0x0];
	s2 =	stileid.u32  }
0x1ea: {  	s1 =	rddreg [dreg:$0x1];
	p0 =	sne.s32 s2, $0x0  }
0x1eb: {  	s3 =	rddreg [dreg:$0x2];
	[bflag:$0x3] =	sbarrier.arrive $0xFFFF;
	s2 =	simm.s32 @!p0 $0x1C04  }
0x1ec: {  	[timem:s3], [sflag:s2] =	dma.local @!p0 [hbm:s0], s1  }
0x1ed: {  	s0 =	simm.s32 @!p0 $0x4  }
0x1ee: {  	_ =	swait.ge @!p0 [sflag:s0], s1  }
0x1ef: {  	s1 =	ssub.s32 @!p0 $0x0, s1;
	[sflag:s0] =	ssyncset.done @!p0 $0x0  }
0x1f0: {  	[sflag:s0] =	ssyncadd.s32 @!p0 s1  }
0x1f1: {  	[bflag:$0x3] =	sbarrier.arrive $0xFFFF  }
0x1f2: {  	_ =	shalt  }

</sc_bundles>
